<compile_context>
chip_gen: v7x
topology: tpu7x:2x2x1
jax: 0.10.2.dev20260603
libtpu: 0.0.44.dev20260713+nightly
codegen_flags: <defaults>
</compile_context>

<pallas_src>
import functools

import jax
import jax.numpy as jnp
from jax import lax
from jax.experimental import pallas as pl
from jax.experimental.pallas import tpu as pltpu
from jax.experimental.pallas import tpu_sc as plsc

B = 32768
D = 32
C = 8192

M_TILE = 1024
CHUNK = 2048
N_CHUNKS = C // CHUNK

NW = 32
BPW = B // NW
GW = 128
NG = BPW // GW


def _argmin_body(f_ref, cbt_ref, idx_ref):
    f = f_ref[...]
    a = jnp.sum(f * f, axis=1, keepdims=True)
    bestv = jnp.full((M_TILE, 1), jnp.inf, jnp.float32)
    besti = jnp.zeros((M_TILE, 1), jnp.int32)
    for j in range(N_CHUNKS):
        ch = cbt_ref[:, j * CHUNK:(j + 1) * CHUNK]
        b = jnp.sum(ch * ch, axis=0, keepdims=True)
        ch_r = ch.astype(jnp.bfloat16).astype(jnp.float32)
        t = lax.dot_general(
            f, ch_r, (((1,), (0,)), ((), ())),
            preferred_element_type=jnp.float32,
        )
        dist = (a + b) - 2.0 * t
        m = jnp.min(dist, axis=1, keepdims=True)
        io = lax.broadcasted_iota(jnp.int32, dist.shape, 1)
        cand = jnp.where(dist == m, io, jnp.int32(2 ** 30))
        li = jnp.min(cand, axis=1, keepdims=True) + j * CHUNK
        upd = (m < bestv) | ((m == bestv) & (li < besti))
        bestv = jnp.where(upd, m, bestv)
        besti = jnp.where(upd, li, besti)
    idx_ref[...] = besti[:, 0]


def _argmin_call(features, cbt):
    return pl.pallas_call(
        _argmin_body,
        grid=(B // M_TILE,),
        in_specs=[
            pl.BlockSpec((M_TILE, D), lambda i: (i, 0)),
            pl.BlockSpec((D, C), lambda i: (0, 0)),
        ],
        out_specs=pl.BlockSpec((M_TILE,), lambda i: (i,)),
        out_shape=jax.ShapeDtypeStruct((B,), jnp.int32),
        compiler_params=pltpu.CompilerParams(
            dimension_semantics=("parallel",)),
    )(features, cbt)


F_TILE = 4096


def _final_body(f_ref, q_ref, cnt_ref, fr_ref, loss_ref, ent_ref, acc_ref):
    i = pl.program_id(0)
    f = f_ref[...]
    q = q_ref[...]
    d = q - f
    fr_ref[...] = f + d
    part = jnp.sum(d * d)

    @pl.when(i == 0)
    def _():
        acc_ref[0] = part

    @pl.when(i > 0)
    def _():
        acc_ref[0] = acc_ref[0] + part

    @pl.when(i == pl.num_programs(0) - 1)
    def _():
        loss = acc_ref[0] / (B * D)
        loss_ref[...] = jnp.full((8, 128), loss, jnp.float32)
        p = cnt_ref[...] / B
        ent = -jnp.sum(p * jnp.log(p + 1e-08))
        ent_ref[...] = jnp.full((8, 128), ent, jnp.float32)


def _final_call(features, q, cnt2d):
    return pl.pallas_call(
        _final_body,
        grid=(B // F_TILE,),
        in_specs=[
            pl.BlockSpec((F_TILE, D), lambda i: (i, 0)),
            pl.BlockSpec((F_TILE, D), lambda i: (i, 0)),
            pl.BlockSpec((C // 128, 128), lambda i: (0, 0)),
        ],
        out_specs=[
            pl.BlockSpec((F_TILE, D), lambda i: (i, 0)),
            pl.BlockSpec((8, 128), lambda i: (0, 0)),
            pl.BlockSpec((8, 128), lambda i: (0, 0)),
        ],
        out_shape=[
            jax.ShapeDtypeStruct((B, D), jnp.float32),
            jax.ShapeDtypeStruct((8, 128), jnp.float32),
            jax.ShapeDtypeStruct((8, 128), jnp.float32),
        ],
        scratch_shapes=[pltpu.SMEM((1,), jnp.float32)],
        compiler_params=pltpu.CompilerParams(
            dimension_semantics=("arbitrary",)),
    )(features, q, cnt2d)


def _sc_gather_hist(codebook, idx3, ones_blk, zeros_init):
    mesh = plsc.VectorSubcoreMesh(core_axis_name="c", subcore_axis_name="s")

    @functools.partial(
        pl.kernel,
        out_type=[
            jax.ShapeDtypeStruct((B, D), jnp.float32),
            jax.ShapeDtypeStruct((2, C, 16), jnp.float32),
        ],
        mesh=mesh,
        scratch_types=[
            pltpu.VMEM((NG, GW), jnp.int32),
            pltpu.VMEM((BPW, D), jnp.float32),
            pltpu.VMEM((GW, 16), jnp.float32),
            pltpu.VMEM_SHARED((C, 16), jnp.float32),
            pltpu.SemaphoreType.DMA,
        ],
        compiler_params=pltpu.CompilerParams(use_tc_tiling_on_sc=False),
    )
    def k(cb_hbm, idx_hbm, ones_hbm, z_hbm, q_hbm, cnt_hbm,
          idx_v, rows_v, ones_v, shared, sem):
        cid = lax.axis_index("c")
        sid = lax.axis_index("s")
        wid = cid * 16 + sid
        pltpu.sync_copy(idx_hbm.at[wid], idx_v)
        pltpu.sync_copy(ones_hbm, ones_v)
        stripe = C // 16
        pltpu.sync_copy(z_hbm.at[pl.ds(sid * stripe, stripe)],
                        shared.at[pl.ds(sid * stripe, stripe)])
        plsc.subcore_barrier()
        copies = []
        for j in range(NG):
            copies.append(pltpu.async_copy(
                cb_hbm.at[idx_v.at[j]],
                rows_v.at[pl.ds(j * GW, GW)], sem))
        for cpy in copies:
            cpy.wait()
        pltpu.sync_copy(rows_v, q_hbm.at[pl.ds(wid * BPW, BPW)])
        for j in range(NG):
            pltpu.sync_copy(ones_v, shared.at[idx_v.at[j]], add=True)
        plsc.subcore_barrier()

        @pl.when(sid == 0)
        def _():
            pltpu.sync_copy(shared, cnt_hbm.at[cid])

    return k(codebook, idx3, ones_blk, zeros_init)


def kernel(features, codebook):
    cbt = codebook.T
    idx = _argmin_call(features, cbt)
    idx3 = idx.reshape(NW, NG, GW)
    ones_blk = jnp.zeros((GW, 16), jnp.float32).at[:, 0].set(1.0)
    zeros_init = jnp.zeros((C, 16), jnp.float32)
    q, counts16 = _sc_gather_hist(codebook, idx3, ones_blk, zeros_init)
    cnt2d = (counts16[0, :, 0] + counts16[1, :, 0]).reshape(C // 128, 128)
    fr, loss, ent = _final_call(features, q, cnt2d)
    loss = loss[0, 0]
    return (fr, loss, loss, ent[0, 0])

# --- scband reference (transcript-rebuilt; emitter-appended) ---
"""Pipeline reference for scband-shared-codebook-75883482186300 (READ-ONLY COPY).

The authoritative reference and input builder live on the scoring server;
editing this copy changes nothing except your own understanding.
"""

import jax, jax.numpy as jnp
import numpy as np

NUM_CODES = 8192
CODE_DIM = 32
BATCH = 32768


def setup_inputs(seed: int = 0) -> dict:
    key = jax.random.key(seed)
    k1, k2 = jax.random.split(key)
    features = jax.random.normal(k1, (BATCH, CODE_DIM), dtype=jnp.float32)
    codebook = jax.random.normal(k2, (NUM_CODES, CODE_DIM), dtype=jnp.float32) * 0.02
    return {"features": features, "codebook": codebook}


def reference(features, codebook):
    # pairwise squared L2 distances: |f|^2 + |c|^2 - 2 f c^T
    distances = (
        jnp.sum(features ** 2, axis=1, keepdims=True)
        + jnp.sum(codebook ** 2, axis=1)
        - 2.0 * jnp.matmul(features, codebook.T)
    )
    closest_code_indices = jnp.argmin(distances, axis=1)
    quantized_features = jnp.take(codebook, closest_code_indices, axis=0)
    codebook_loss = jnp.mean((quantized_features - jax.lax.stop_gradient(features)) ** 2)
    commitment_loss = jnp.mean((features - jax.lax.stop_gradient(quantized_features)) ** 2)
    code_counts = jnp.zeros((NUM_CODES,), dtype=jnp.float32).at[closest_code_indices].add(1.0)
    code_probs = code_counts / features.shape[0]
    code_entropy = -jnp.sum(code_probs * jnp.log(code_probs + 1e-08))
    final_representation = features + jax.lax.stop_gradient(quantized_features - features)
    return (final_representation, codebook_loss, commitment_loss, code_entropy)

if __name__ == "__main__":
    import jax
    _d = setup_inputs()
    print(jax.jit(kernel)(*tuple(_d.values())))

</pallas_src>

<mosaic_0001>
#map = affine_map<(d0, d1) -> (0, 0)>
#map1 = affine_map<(d0, d1) -> (0, 0, 0)>
module attributes {stable_mosaic.version = 14 : i64} {
  func.func @k(%arg0: i32, %arg1: i32, %arg2: memref<8192x32xf32, #tpu.memory_space<hbm>>, %arg3: memref<32x8x128xi32, #tpu.memory_space<hbm>>, %arg4: memref<128x16xf32, #tpu.memory_space<hbm>>, %arg5: memref<8192x16xf32, #tpu.memory_space<hbm>>, %arg6: memref<32768x32xf32, #tpu.memory_space<hbm>>, %arg7: memref<2x8192x16xf32, #tpu.memory_space<hbm>>, %arg8: memref<8x128xi32, #tpu.memory_space<vmem>>, %arg9: memref<1024x32xf32, #tpu.memory_space<vmem>>, %arg10: memref<128x16xf32, #tpu.memory_space<vmem>>, %arg11: memref<8192x16xf32, #tpu.memory_space<vmem_shared>>, %arg12: memref<!tpu.dma_semaphore, #tpu.memory_space<semaphore_mem>>) attributes {dimension_semantics = [#tpu.dimension_semantics<core_parallel>, #tpu.dimension_semantics<subcore_parallel>], iteration_bounds = array<i64: 2, 16>, scalar_prefetch = 0 : i64, scratch_operands = 5 : i64, tpu.core_type = #tpu.core_type<sc_vector_subcore>, window_params = [{transform_indices = #map}, {transform_indices = #map1}, {transform_indices = #map}, {transform_indices = #map}, {transform_indices = #map}, {transform_indices = #map1}]} {
    %mul3A = arith.constant 16 : i32
    %mul3A_0 = arith.muli %arg0, %mul3A : i32
    %add3A = arith.addi %mul3A_0, %arg1 : i32
    "tpu.region"() ({
      %run_scoped3A_175 = tpu.sem_alloc : memref<!tpu.dma_semaphore, #tpu.memory_space<semaphore_mem>>
      %dma_start3A_176 = arith.constant 0 : i32
      %dma_start3A_177 = arith.constant 0 : i32
      %dma_start3A_178 = tpu.memref_slice %arg3[%add3A, %dma_start3A_176, %dma_start3A_177] : memref<32x8x128xi32, #tpu.memory_space<hbm>> -> memref<1x8x128xi32, #tpu.memory_space<hbm>>
      %dma_start3A_179 = tpu.memref_squeeze %dma_start3A_178 : memref<1x8x128xi32, #tpu.memory_space<hbm>> -> memref<8x128xi32, #tpu.memory_space<hbm>>
      %dma_start3A_180 = arith.constant 0 : i32
      %dma_start3A_181 = arith.constant 0 : i32
      %dma_start3A_182 = tpu.memref_slice %arg3[%add3A, %dma_start3A_180, %dma_start3A_181] : memref<32x8x128xi32, #tpu.memory_space<hbm>> -> memref<1x8x128xi32, #tpu.memory_space<hbm>>
      %dma_start3A_183 = tpu.memref_squeeze %dma_start3A_182 : memref<1x8x128xi32, #tpu.memory_space<hbm>> -> memref<8x128xi32, #tpu.memory_space<hbm>>
      tpu.enqueue_dma source(%dma_start3A_183 : memref<8x128xi32, #tpu.memory_space<hbm>>) target(%arg8 : memref<8x128xi32, #tpu.memory_space<vmem>>) target_semaphore(%run_scoped3A_175 : memref<!tpu.dma_semaphore, #tpu.memory_space<semaphore_mem>>)
      %dma_wait3A_184 = arith.constant 0 : i32
      %dma_wait3A_185 = arith.constant 0 : i32
      %dma_wait3A_186 = tpu.memref_slice %arg3[%add3A, %dma_wait3A_184, %dma_wait3A_185] : memref<32x8x128xi32, #tpu.memory_space<hbm>> -> memref<1x8x128xi32, #tpu.memory_space<hbm>>
      %dma_wait3A_187 = tpu.memref_squeeze %dma_wait3A_186 : memref<1x8x128xi32, #tpu.memory_space<hbm>> -> memref<8x128xi32, #tpu.memory_space<hbm>>
      %dma_wait3A_188 = arith.constant 0 : i32
      %dma_wait3A_189 = arith.constant 0 : i32
      %dma_wait3A_190 = tpu.memref_slice %arg3[%add3A, %dma_wait3A_188, %dma_wait3A_189] : memref<32x8x128xi32, #tpu.memory_space<hbm>> -> memref<1x8x128xi32, #tpu.memory_space<hbm>>
      %dma_wait3A_191 = tpu.memref_squeeze %dma_wait3A_190 : memref<1x8x128xi32, #tpu.memory_space<hbm>> -> memref<8x128xi32, #tpu.memory_space<hbm>>
      tpu.wait_dma2 semaphore(%run_scoped3A_175 : memref<!tpu.dma_semaphore, #tpu.memory_space<semaphore_mem>>) src(%dma_wait3A_191 : memref<8x128xi32, #tpu.memory_space<hbm>>) dst(%arg8 : memref<8x128xi32, #tpu.memory_space<vmem>>)
      tpu.yield
    }) : () -> ()
    "tpu.region"() ({
      %run_scoped3A_175 = tpu.sem_alloc : memref<!tpu.dma_semaphore, #tpu.memory_space<semaphore_mem>>
      tpu.enqueue_dma source(%arg4 : memref<128x16xf32, #tpu.memory_space<hbm>>) target(%arg10 : memref<128x16xf32, #tpu.memory_space<vmem>>) target_semaphore(%run_scoped3A_175 : memref<!tpu.dma_semaphore, #tpu.memory_space<semaphore_mem>>)
      tpu.wait_dma2 semaphore(%run_scoped3A_175 : memref<!tpu.dma_semaphore, #tpu.memory_space<semaphore_mem>>) src(%arg4 : memref<128x16xf32, #tpu.memory_space<hbm>>) dst(%arg10 : memref<128x16xf32, #tpu.memory_space<vmem>>)
      tpu.yield
    }) : () -> ()
    %mul3A_1 = arith.constant 512 : i32
    %mul3A_2 = arith.muli %arg1, %mul3A_1 : i32
    %mul3A_3 = arith.constant 512 : i32
    %mul3A_4 = arith.muli %arg1, %mul3A_3 : i32
    "tpu.region"() ({
      %run_scoped3A_175 = tpu.sem_alloc : memref<!tpu.dma_semaphore, #tpu.memory_space<semaphore_mem>>
      %dma_start3A_176 = arith.constant 0 : i32
      %dma_start3A_177 = tpu.memref_slice %arg11[%mul3A_4, %dma_start3A_176] : memref<8192x16xf32, #tpu.memory_space<vmem_shared>> -> memref<512x16xf32, #tpu.memory_space<vmem_shared>>
      %dma_start3A_178 = arith.constant 0 : i32
      %dma_start3A_179 = tpu.memref_slice %arg5[%mul3A_2, %dma_start3A_178] : memref<8192x16xf32, #tpu.memory_space<hbm>> -> memref<512x16xf32, #tpu.memory_space<hbm>>
      tpu.enqueue_dma source(%dma_start3A_179 : memref<512x16xf32, #tpu.memory_space<hbm>>) target(%dma_start3A_177 : memref<512x16xf32, #tpu.memory_space<vmem_shared>>) target_semaphore(%run_scoped3A_175 : memref<!tpu.dma_semaphore, #tpu.memory_space<semaphore_mem>>)
      %dma_wait3A_180 = arith.constant 0 : i32
      %dma_wait3A_181 = tpu.memref_slice %arg11[%mul3A_4, %dma_wait3A_180] : memref<8192x16xf32, #tpu.memory_space<vmem_shared>> -> memref<512x16xf32, #tpu.memory_space<vmem_shared>>
      %dma_wait3A_182 = arith.constant 0 : i32
      %dma_wait3A_183 = tpu.memref_slice %arg5[%mul3A_2, %dma_wait3A_182] : memref<8192x16xf32, #tpu.memory_space<hbm>> -> memref<512x16xf32, #tpu.memory_space<hbm>>
      tpu.wait_dma2 semaphore(%run_scoped3A_175 : memref<!tpu.dma_semaphore, #tpu.memory_space<semaphore_mem>>) src(%dma_wait3A_183 : memref<512x16xf32, #tpu.memory_space<hbm>>) dst(%dma_wait3A_181 : memref<512x16xf32, #tpu.memory_space<vmem_shared>>)
      tpu.yield
    }) : () -> ()
    %barrier3A = arith.constant 0 : index
    tpu.barrier barrier_id(%barrier3A)
    %dma_start3A = arith.constant 0 : i32
    %dma_start3A_5 = arith.constant 0 : i32
    %dma_start3A_6 = arith.constant 0 : i32
    %dma_start3A_7 = tpu.memref_slice %arg9[%dma_start3A_5, %dma_start3A_6] : memref<1024x32xf32, #tpu.memory_space<vmem>> -> memref<128x32xf32, #tpu.memory_space<vmem>>
    %dma_start3A_8 = arith.constant 0 : i32
    %dma_start3A_9 = tpu.memref_slice %arg8[%dma_start3A, %dma_start3A_8] : memref<8x128xi32, #tpu.memory_space<vmem>> -> memref<1x128xi32, #tpu.memory_space<vmem>>
    %dma_start3A_10 = tpu.memref_squeeze %dma_start3A_9 : memref<1x128xi32, #tpu.memory_space<vmem>> -> memref<128xi32, #tpu.memory_space<vmem>>
    %dma_start3A_11 = arith.constant 0 : i32
    %dma_start3A_12 = arith.constant 0 : i32
    %dma_start3A_13 = tpu.memref_slice %arg2[%dma_start3A_11, %dma_start3A_12] : memref<8192x32xf32, #tpu.memory_space<hbm>> -> memref<8192x32xf32, #tpu.memory_space<hbm>>
    tpu.enqueue_indirect_dma source(%dma_start3A_13 : memref<8192x32xf32, #tpu.memory_space<hbm>>) target(%dma_start3A_7 : memref<128x32xf32, #tpu.memory_space<vmem>>) offsets(%dma_start3A_10 : memref<128xi32, #tpu.memory_space<vmem>>) semaphore(%arg12 : memref<!tpu.dma_semaphore, #tpu.memory_space<semaphore_mem>>)
    %dma_start3A_14 = arith.constant 1 : i32
    %dma_start3A_15 = arith.constant 128 : i32
    %dma_start3A_16 = arith.constant 0 : i32
    %dma_start3A_17 = tpu.memref_slice %arg9[%dma_start3A_15, %dma_start3A_16] : memref<1024x32xf32, #tpu.memory_space<vmem>> -> memref<128x32xf32, #tpu.memory_space<vmem>>
    %dma_start3A_18 = arith.constant 0 : i32
    %dma_start3A_19 = tpu.memref_slice %arg8[%dma_start3A_14, %dma_start3A_18] : memref<8x128xi32, #tpu.memory_space<vmem>> -> memref<1x128xi32, #tpu.memory_space<vmem>>
    %dma_start3A_20 = tpu.memref_squeeze %dma_start3A_19 : memref<1x128xi32, #tpu.memory_space<vmem>> -> memref<128xi32, #tpu.memory_space<vmem>>
    %dma_start3A_21 = arith.constant 0 : i32
    %dma_start3A_22 = arith.constant 0 : i32
    %dma_start3A_23 = tpu.memref_slice %arg2[%dma_start3A_21, %dma_start3A_22] : memref<8192x32xf32, #tpu.memory_space<hbm>> -> memref<8192x32xf32, #tpu.memory_space<hbm>>
    tpu.enqueue_indirect_dma source(%dma_start3A_23 : memref<8192x32xf32, #tpu.memory_space<hbm>>) target(%dma_start3A_17 : memref<128x32xf32, #tpu.memory_space<vmem>>) offsets(%dma_start3A_20 : memref<128xi32, #tpu.memory_space<vmem>>) semaphore(%arg12 : memref<!tpu.dma_semaphore, #tpu.memory_space<semaphore_mem>>)
    %dma_start3A_24 = arith.constant 2 : i32
    %dma_start3A_25 = arith.constant 256 : i32
    %dma_start3A_26 = arith.constant 0 : i32
    %dma_start3A_27 = tpu.memref_slice %arg9[%dma_start3A_25, %dma_start3A_26] : memref<1024x32xf32, #tpu.memory_space<vmem>> -> memref<128x32xf32, #tpu.memory_space<vmem>>
    %dma_start3A_28 = arith.constant 0 : i32
    %dma_start3A_29 = tpu.memref_slice %arg8[%dma_start3A_24, %dma_start3A_28] : memref<8x128xi32, #tpu.memory_space<vmem>> -> memref<1x128xi32, #tpu.memory_space<vmem>>
    %dma_start3A_30 = tpu.memref_squeeze %dma_start3A_29 : memref<1x128xi32, #tpu.memory_space<vmem>> -> memref<128xi32, #tpu.memory_space<vmem>>
    %dma_start3A_31 = arith.constant 0 : i32
    %dma_start3A_32 = arith.constant 0 : i32
    %dma_start3A_33 = tpu.memref_slice %arg2[%dma_start3A_31, %dma_start3A_32] : memref<8192x32xf32, #tpu.memory_space<hbm>> -> memref<8192x32xf32, #tpu.memory_space<hbm>>
    tpu.enqueue_indirect_dma source(%dma_start3A_33 : memref<8192x32xf32, #tpu.memory_space<hbm>>) target(%dma_start3A_27 : memref<128x32xf32, #tpu.memory_space<vmem>>) offsets(%dma_start3A_30 : memref<128xi32, #tpu.memory_space<vmem>>) semaphore(%arg12 : memref<!tpu.dma_semaphore, #tpu.memory_space<semaphore_mem>>)
    %dma_start3A_34 = arith.constant 3 : i32
    %dma_start3A_35 = arith.constant 384 : i32
    %dma_start3A_36 = arith.constant 0 : i32
    %dma_start3A_37 = tpu.memref_slice %arg9[%dma_start3A_35, %dma_start3A_36] : memref<1024x32xf32, #tpu.memory_space<vmem>> -> memref<128x32xf32, #tpu.memory_space<vmem>>
    %dma_start3A_38 = arith.constant 0 : i32
    %dma_start3A_39 = tpu.memref_slice %arg8[%dma_start3A_34, %dma_start3A_38] : memref<8x128xi32, #tpu.memory_space<vmem>> -> memref<1x128xi32, #tpu.memory_space<vmem>>
    %dma_start3A_40 = tpu.memref_squeeze %dma_start3A_39 : memref<1x128xi32, #tpu.memory_space<vmem>> -> memref<128xi32, #tpu.memory_space<vmem>>
    %dma_start3A_41 = arith.constant 0 : i32
    %dma_start3A_42 = arith.constant 0 : i32
    %dma_start3A_43 = tpu.memref_slice %arg2[%dma_start3A_41, %dma_start3A_42] : memref<8192x32xf32, #tpu.memory_space<hbm>> -> memref<8192x32xf32, #tpu.memory_space<hbm>>
    tpu.enqueue_indirect_dma source(%dma_start3A_43 : memref<8192x32xf32, #tpu.memory_space<hbm>>) target(%dma_start3A_37 : memref<128x32xf32, #tpu.memory_space<vmem>>) offsets(%dma_start3A_40 : memref<128xi32, #tpu.memory_space<vmem>>) semaphore(%arg12 : memref<!tpu.dma_semaphore, #tpu.memory_space<semaphore_mem>>)
    %dma_start3A_44 = arith.constant 4 : i32
    %dma_start3A_45 = arith.constant 512 : i32
    %dma_start3A_46 = arith.constant 0 : i32
    %dma_start3A_47 = tpu.memref_slice %arg9[%dma_start3A_45, %dma_start3A_46] : memref<1024x32xf32, #tpu.memory_space<vmem>> -> memref<128x32xf32, #tpu.memory_space<vmem>>
    %dma_start3A_48 = arith.constant 0 : i32
    %dma_start3A_49 = tpu.memref_slice %arg8[%dma_start3A_44, %dma_start3A_48] : memref<8x128xi32, #tpu.memory_space<vmem>> -> memref<1x128xi32, #tpu.memory_space<vmem>>
    %dma_start3A_50 = tpu.memref_squeeze %dma_start3A_49 : memref<1x128xi32, #tpu.memory_space<vmem>> -> memref<128xi32, #tpu.memory_space<vmem>>
    %dma_start3A_51 = arith.constant 0 : i32
    %dma_start3A_52 = arith.constant 0 : i32
    %dma_start3A_53 = tpu.memref_slice %arg2[%dma_start3A_51, %dma_start3A_52] : memref<8192x32xf32, #tpu.memory_space<hbm>> -> memref<8192x32xf32, #tpu.memory_space<hbm>>
    tpu.enqueue_indirect_dma source(%dma_start3A_53 : memref<8192x32xf32, #tpu.memory_space<hbm>>) target(%dma_start3A_47 : memref<128x32xf32, #tpu.memory_space<vmem>>) offsets(%dma_start3A_50 : memref<128xi32, #tpu.memory_space<vmem>>) semaphore(%arg12 : memref<!tpu.dma_semaphore, #tpu.memory_space<semaphore_mem>>)
    %dma_start3A_54 = arith.constant 5 : i32
    %dma_start3A_55 = arith.constant 640 : i32
    %dma_start3A_56 = arith.constant 0 : i32
    %dma_start3A_57 = tpu.memref_slice %arg9[%dma_start3A_55, %dma_start3A_56] : memref<1024x32xf32, #tpu.memory_space<vmem>> -> memref<128x32xf32, #tpu.memory_space<vmem>>
    %dma_start3A_58 = arith.constant 0 : i32
    %dma_start3A_59 = tpu.memref_slice %arg8[%dma_start3A_54, %dma_start3A_58] : memref<8x128xi32, #tpu.memory_space<vmem>> -> memref<1x128xi32, #tpu.memory_space<vmem>>
    %dma_start3A_60 = tpu.memref_squeeze %dma_start3A_59 : memref<1x128xi32, #tpu.memory_space<vmem>> -> memref<128xi32, #tpu.memory_space<vmem>>
    %dma_start3A_61 = arith.constant 0 : i32
    %dma_start3A_62 = arith.constant 0 : i32
    %dma_start3A_63 = tpu.memref_slice %arg2[%dma_start3A_61, %dma_start3A_62] : memref<8192x32xf32, #tpu.memory_space<hbm>> -> memref<8192x32xf32, #tpu.memory_space<hbm>>
    tpu.enqueue_indirect_dma source(%dma_start3A_63 : memref<8192x32xf32, #tpu.memory_space<hbm>>) target(%dma_start3A_57 : memref<128x32xf32, #tpu.memory_space<vmem>>) offsets(%dma_start3A_60 : memref<128xi32, #tpu.memory_space<vmem>>) semaphore(%arg12 : memref<!tpu.dma_semaphore, #tpu.memory_space<semaphore_mem>>)
    %dma_start3A_64 = arith.constant 6 : i32
    %dma_start3A_65 = arith.constant 768 : i32
    %dma_start3A_66 = arith.constant 0 : i32
    %dma_start3A_67 = tpu.memref_slice %arg9[%dma_start3A_65, %dma_start3A_66] : memref<1024x32xf32, #tpu.memory_space<vmem>> -> memref<128x32xf32, #tpu.memory_space<vmem>>
    %dma_start3A_68 = arith.constant 0 : i32
    %dma_start3A_69 = tpu.memref_slice %arg8[%dma_start3A_64, %dma_start3A_68] : memref<8x128xi32, #tpu.memory_space<vmem>> -> memref<1x128xi32, #tpu.memory_space<vmem>>
    %dma_start3A_70 = tpu.memref_squeeze %dma_start3A_69 : memref<1x128xi32, #tpu.memory_space<vmem>> -> memref<128xi32, #tpu.memory_space<vmem>>
    %dma_start3A_71 = arith.constant 0 : i32
    %dma_start3A_72 = arith.constant 0 : i32
    %dma_start3A_73 = tpu.memref_slice %arg2[%dma_start3A_71, %dma_start3A_72] : memref<8192x32xf32, #tpu.memory_space<hbm>> -> memref<8192x32xf32, #tpu.memory_space<hbm>>
    tpu.enqueue_indirect_dma source(%dma_start3A_73 : memref<8192x32xf32, #tpu.memory_space<hbm>>) target(%dma_start3A_67 : memref<128x32xf32, #tpu.memory_space<vmem>>) offsets(%dma_start3A_70 : memref<128xi32, #tpu.memory_space<vmem>>) semaphore(%arg12 : memref<!tpu.dma_semaphore, #tpu.memory_space<semaphore_mem>>)
    %dma_start3A_74 = arith.constant 7 : i32
    %dma_start3A_75 = arith.constant 896 : i32
    %dma_start3A_76 = arith.constant 0 : i32
    %dma_start3A_77 = tpu.memref_slice %arg9[%dma_start3A_75, %dma_start3A_76] : memref<1024x32xf32, #tpu.memory_space<vmem>> -> memref<128x32xf32, #tpu.memory_space<vmem>>
    %dma_start3A_78 = arith.constant 0 : i32
    %dma_start3A_79 = tpu.memref_slice %arg8[%dma_start3A_74, %dma_start3A_78] : memref<8x128xi32, #tpu.memory_space<vmem>> -> memref<1x128xi32, #tpu.memory_space<vmem>>
    %dma_start3A_80 = tpu.memref_squeeze %dma_start3A_79 : memref<1x128xi32, #tpu.memory_space<vmem>> -> memref<128xi32, #tpu.memory_space<vmem>>
    %dma_start3A_81 = arith.constant 0 : i32
    %dma_start3A_82 = arith.constant 0 : i32
    %dma_start3A_83 = tpu.memref_slice %arg2[%dma_start3A_81, %dma_start3A_82] : memref<8192x32xf32, #tpu.memory_space<hbm>> -> memref<8192x32xf32, #tpu.memory_space<hbm>>
    tpu.enqueue_indirect_dma source(%dma_start3A_83 : memref<8192x32xf32, #tpu.memory_space<hbm>>) target(%dma_start3A_77 : memref<128x32xf32, #tpu.memory_space<vmem>>) offsets(%dma_start3A_80 : memref<128xi32, #tpu.memory_space<vmem>>) semaphore(%arg12 : memref<!tpu.dma_semaphore, #tpu.memory_space<semaphore_mem>>)
    %dma_wait3A = arith.constant 0 : i32
    %dma_wait3A_84 = arith.constant 0 : i32
    %dma_wait3A_85 = arith.constant 0 : i32
    %dma_wait3A_86 = tpu.memref_slice %arg9[%dma_wait3A_84, %dma_wait3A_85] : memref<1024x32xf32, #tpu.memory_space<vmem>> -> memref<128x32xf32, #tpu.memory_space<vmem>>
    %dma_wait3A_87 = arith.constant 0 : i32
    %dma_wait3A_88 = tpu.memref_slice %arg8[%dma_wait3A, %dma_wait3A_87] : memref<8x128xi32, #tpu.memory_space<vmem>> -> memref<1x128xi32, #tpu.memory_space<vmem>>
    %dma_wait3A_89 = tpu.memref_squeeze %dma_wait3A_88 : memref<1x128xi32, #tpu.memory_space<vmem>> -> memref<128xi32, #tpu.memory_space<vmem>>
    %dma_wait3A_90 = arith.constant 0 : i32
    %dma_wait3A_91 = arith.constant 0 : i32
    %dma_wait3A_92 = tpu.memref_slice %arg2[%dma_wait3A_90, %dma_wait3A_91] : memref<8192x32xf32, #tpu.memory_space<hbm>> -> memref<8192x32xf32, #tpu.memory_space<hbm>>
    tpu.wait_indirect_dma semaphore(%arg12 : memref<!tpu.dma_semaphore, #tpu.memory_space<semaphore_mem>>) src(%dma_wait3A_92 : memref<8192x32xf32, #tpu.memory_space<hbm>>) dst(%dma_wait3A_86 : memref<128x32xf32, #tpu.memory_space<vmem>>)
    %dma_wait3A_93 = arith.constant 1 : i32
    %dma_wait3A_94 = arith.constant 128 : i32
    %dma_wait3A_95 = arith.constant 0 : i32
    %dma_wait3A_96 = tpu.memref_slice %arg9[%dma_wait3A_94, %dma_wait3A_95] : memref<1024x32xf32, #tpu.memory_space<vmem>> -> memref<128x32xf32, #tpu.memory_space<vmem>>
    %dma_wait3A_97 = arith.constant 0 : i32
    %dma_wait3A_98 = tpu.memref_slice %arg8[%dma_wait3A_93, %dma_wait3A_97] : memref<8x128xi32, #tpu.memory_space<vmem>> -> memref<1x128xi32, #tpu.memory_space<vmem>>
    %dma_wait3A_99 = tpu.memref_squeeze %dma_wait3A_98 : memref<1x128xi32, #tpu.memory_space<vmem>> -> memref<128xi32, #tpu.memory_space<vmem>>
    %dma_wait3A_100 = arith.constant 0 : i32
    %dma_wait3A_101 = arith.constant 0 : i32
    %dma_wait3A_102 = tpu.memref_slice %arg2[%dma_wait3A_100, %dma_wait3A_101] : memref<8192x32xf32, #tpu.memory_space<hbm>> -> memref<8192x32xf32, #tpu.memory_space<hbm>>
    tpu.wait_indirect_dma semaphore(%arg12 : memref<!tpu.dma_semaphore, #tpu.memory_space<semaphore_mem>>) src(%dma_wait3A_102 : memref<8192x32xf32, #tpu.memory_space<hbm>>) dst(%dma_wait3A_96 : memref<128x32xf32, #tpu.memory_space<vmem>>)
    %dma_wait3A_103 = arith.constant 2 : i32
    %dma_wait3A_104 = arith.constant 256 : i32
    %dma_wait3A_105 = arith.constant 0 : i32
    %dma_wait3A_106 = tpu.memref_slice %arg9[%dma_wait3A_104, %dma_wait3A_105] : memref<1024x32xf32, #tpu.memory_space<vmem>> -> memref<128x32xf32, #tpu.memory_space<vmem>>
    %dma_wait3A_107 = arith.constant 0 : i32
    %dma_wait3A_108 = tpu.memref_slice %arg8[%dma_wait3A_103, %dma_wait3A_107] : memref<8x128xi32, #tpu.memory_space<vmem>> -> memref<1x128xi32, #tpu.memory_space<vmem>>
    %dma_wait3A_109 = tpu.memref_squeeze %dma_wait3A_108 : memref<1x128xi32, #tpu.memory_space<vmem>> -> memref<128xi32, #tpu.memory_space<vmem>>
    %dma_wait3A_110 = arith.constant 0 : i32
    %dma_wait3A_111 = arith.constant 0 : i32
    %dma_wait3A_112 = tpu.memref_slice %arg2[%dma_wait3A_110, %dma_wait3A_111] : memref<8192x32xf32, #tpu.memory_space<hbm>> -> memref<8192x32xf32, #tpu.memory_space<hbm>>
    tpu.wait_indirect_dma semaphore(%arg12 : memref<!tpu.dma_semaphore, #tpu.memory_space<semaphore_mem>>) src(%dma_wait3A_112 : memref<8192x32xf32, #tpu.memory_space<hbm>>) dst(%dma_wait3A_106 : memref<128x32xf32, #tpu.memory_space<vmem>>)
    %dma_wait3A_113 = arith.constant 3 : i32
    %dma_wait3A_114 = arith.constant 384 : i32
    %dma_wait3A_115 = arith.constant 0 : i32
    %dma_wait3A_116 = tpu.memref_slice %arg9[%dma_wait3A_114, %dma_wait3A_115] : memref<1024x32xf32, #tpu.memory_space<vmem>> -> memref<128x32xf32, #tpu.memory_space<vmem>>
    %dma_wait3A_117 = arith.constant 0 : i32
    %dma_wait3A_118 = tpu.memref_slice %arg8[%dma_wait3A_113, %dma_wait3A_117] : memref<8x128xi32, #tpu.memory_space<vmem>> -> memref<1x128xi32, #tpu.memory_space<vmem>>
    %dma_wait3A_119 = tpu.memref_squeeze %dma_wait3A_118 : memref<1x128xi32, #tpu.memory_space<vmem>> -> memref<128xi32, #tpu.memory_space<vmem>>
    %dma_wait3A_120 = arith.constant 0 : i32
    %dma_wait3A_121 = arith.constant 0 : i32
    %dma_wait3A_122 = tpu.memref_slice %arg2[%dma_wait3A_120, %dma_wait3A_121] : memref<8192x32xf32, #tpu.memory_space<hbm>> -> memref<8192x32xf32, #tpu.memory_space<hbm>>
    tpu.wait_indirect_dma semaphore(%arg12 : memref<!tpu.dma_semaphore, #tpu.memory_space<semaphore_mem>>) src(%dma_wait3A_122 : memref<8192x32xf32, #tpu.memory_space<hbm>>) dst(%dma_wait3A_116 : memref<128x32xf32, #tpu.memory_space<vmem>>)
    %dma_wait3A_123 = arith.constant 4 : i32
    %dma_wait3A_124 = arith.constant 512 : i32
    %dma_wait3A_125 = arith.constant 0 : i32
    %dma_wait3A_126 = tpu.memref_slice %arg9[%dma_wait3A_124, %dma_wait3A_125] : memref<1024x32xf32, #tpu.memory_space<vmem>> -> memref<128x32xf32, #tpu.memory_space<vmem>>
    %dma_wait3A_127 = arith.constant 0 : i32
    %dma_wait3A_128 = tpu.memref_slice %arg8[%dma_wait3A_123, %dma_wait3A_127] : memref<8x128xi32, #tpu.memory_space<vmem>> -> memref<1x128xi32, #tpu.memory_space<vmem>>
    %dma_wait3A_129 = tpu.memref_squeeze %dma_wait3A_128 : memref<1x128xi32, #tpu.memory_space<vmem>> -> memref<128xi32, #tpu.memory_space<vmem>>
    %dma_wait3A_130 = arith.constant 0 : i32
    %dma_wait3A_131 = arith.constant 0 : i32
    %dma_wait3A_132 = tpu.memref_slice %arg2[%dma_wait3A_130, %dma_wait3A_131] : memref<8192x32xf32, #tpu.memory_space<hbm>> -> memref<8192x32xf32, #tpu.memory_space<hbm>>
    tpu.wait_indirect_dma semaphore(%arg12 : memref<!tpu.dma_semaphore, #tpu.memory_space<semaphore_mem>>) src(%dma_wait3A_132 : memref<8192x32xf32, #tpu.memory_space<hbm>>) dst(%dma_wait3A_126 : memref<128x32xf32, #tpu.memory_space<vmem>>)
    %dma_wait3A_133 = arith.constant 5 : i32
    %dma_wait3A_134 = arith.constant 640 : i32
    %dma_wait3A_135 = arith.constant 0 : i32
    %dma_wait3A_136 = tpu.memref_slice %arg9[%dma_wait3A_134, %dma_wait3A_135] : memref<1024x32xf32, #tpu.memory_space<vmem>> -> memref<128x32xf32, #tpu.memory_space<vmem>>
    %dma_wait3A_137 = arith.constant 0 : i32
    %dma_wait3A_138 = tpu.memref_slice %arg8[%dma_wait3A_133, %dma_wait3A_137] : memref<8x128xi32, #tpu.memory_space<vmem>> -> memref<1x128xi32, #tpu.memory_space<vmem>>
    %dma_wait3A_139 = tpu.memref_squeeze %dma_wait3A_138 : memref<1x128xi32, #tpu.memory_space<vmem>> -> memref<128xi32, #tpu.memory_space<vmem>>
    %dma_wait3A_140 = arith.constant 0 : i32
    %dma_wait3A_141 = arith.constant 0 : i32
    %dma_wait3A_142 = tpu.memref_slice %arg2[%dma_wait3A_140, %dma_wait3A_141] : memref<8192x32xf32, #tpu.memory_space<hbm>> -> memref<8192x32xf32, #tpu.memory_space<hbm>>
    tpu.wait_indirect_dma semaphore(%arg12 : memref<!tpu.dma_semaphore, #tpu.memory_space<semaphore_mem>>) src(%dma_wait3A_142 : memref<8192x32xf32, #tpu.memory_space<hbm>>) dst(%dma_wait3A_136 : memref<128x32xf32, #tpu.memory_space<vmem>>)
    %dma_wait3A_143 = arith.constant 6 : i32
    %dma_wait3A_144 = arith.constant 768 : i32
    %dma_wait3A_145 = arith.constant 0 : i32
    %dma_wait3A_146 = tpu.memref_slice %arg9[%dma_wait3A_144, %dma_wait3A_145] : memref<1024x32xf32, #tpu.memory_space<vmem>> -> memref<128x32xf32, #tpu.memory_space<vmem>>
    %dma_wait3A_147 = arith.constant 0 : i32
    %dma_wait3A_148 = tpu.memref_slice %arg8[%dma_wait3A_143, %dma_wait3A_147] : memref<8x128xi32, #tpu.memory_space<vmem>> -> memref<1x128xi32, #tpu.memory_space<vmem>>
    %dma_wait3A_149 = tpu.memref_squeeze %dma_wait3A_148 : memref<1x128xi32, #tpu.memory_space<vmem>> -> memref<128xi32, #tpu.memory_space<vmem>>
    %dma_wait3A_150 = arith.constant 0 : i32
    %dma_wait3A_151 = arith.constant 0 : i32
    %dma_wait3A_152 = tpu.memref_slice %arg2[%dma_wait3A_150, %dma_wait3A_151] : memref<8192x32xf32, #tpu.memory_space<hbm>> -> memref<8192x32xf32, #tpu.memory_space<hbm>>
    tpu.wait_indirect_dma semaphore(%arg12 : memref<!tpu.dma_semaphore, #tpu.memory_space<semaphore_mem>>) src(%dma_wait3A_152 : memref<8192x32xf32, #tpu.memory_space<hbm>>) dst(%dma_wait3A_146 : memref<128x32xf32, #tpu.memory_space<vmem>>)
    %dma_wait3A_153 = arith.constant 7 : i32
    %dma_wait3A_154 = arith.constant 896 : i32
    %dma_wait3A_155 = arith.constant 0 : i32
    %dma_wait3A_156 = tpu.memref_slice %arg9[%dma_wait3A_154, %dma_wait3A_155] : memref<1024x32xf32, #tpu.memory_space<vmem>> -> memref<128x32xf32, #tpu.memory_space<vmem>>
    %dma_wait3A_157 = arith.constant 0 : i32
    %dma_wait3A_158 = tpu.memref_slice %arg8[%dma_wait3A_153, %dma_wait3A_157] : memref<8x128xi32, #tpu.memory_space<vmem>> -> memref<1x128xi32, #tpu.memory_space<vmem>>
    %dma_wait3A_159 = tpu.memref_squeeze %dma_wait3A_158 : memref<1x128xi32, #tpu.memory_space<vmem>> -> memref<128xi32, #tpu.memory_space<vmem>>
    %dma_wait3A_160 = arith.constant 0 : i32
    %dma_wait3A_161 = arith.constant 0 : i32
    %dma_wait3A_162 = tpu.memref_slice %arg2[%dma_wait3A_160, %dma_wait3A_161] : memref<8192x32xf32, #tpu.memory_space<hbm>> -> memref<8192x32xf32, #tpu.memory_space<hbm>>
    tpu.wait_indirect_dma semaphore(%arg12 : memref<!tpu.dma_semaphore, #tpu.memory_space<semaphore_mem>>) src(%dma_wait3A_162 : memref<8192x32xf32, #tpu.memory_space<hbm>>) dst(%dma_wait3A_156 : memref<128x32xf32, #tpu.memory_space<vmem>>)
    %mul3A_163 = arith.constant 1024 : i32
    %mul3A_164 = arith.muli %add3A, %mul3A_163 : i32
    "tpu.region"() ({
      %run_scoped3A_175 = tpu.sem_alloc : memref<!tpu.dma_semaphore, #tpu.memory_space<semaphore_mem>>
      %dma_start3A_176 = arith.constant 0 : i32
      %dma_start3A_177 = tpu.memref_slice %arg6[%mul3A_164, %dma_start3A_176] : memref<32768x32xf32, #tpu.memory_space<hbm>> -> memref<1024x32xf32, #tpu.memory_space<hbm>>
      %dma_start3A_178 = arith.constant 0 : i32
      %dma_start3A_179 = tpu.memref_slice %arg6[%mul3A_164, %dma_start3A_178] : memref<32768x32xf32, #tpu.memory_space<hbm>> -> memref<1024x32xf32, #tpu.memory_space<hbm>>
      tpu.enqueue_dma source(%arg9 : memref<1024x32xf32, #tpu.memory_space<vmem>>) target(%dma_start3A_179 : memref<1024x32xf32, #tpu.memory_space<hbm>>) target_semaphore(%run_scoped3A_175 : memref<!tpu.dma_semaphore, #tpu.memory_space<semaphore_mem>>)
      %dma_wait3A_180 = arith.constant 0 : i32
      %dma_wait3A_181 = tpu.memref_slice %arg6[%mul3A_164, %dma_wait3A_180] : memref<32768x32xf32, #tpu.memory_space<hbm>> -> memref<1024x32xf32, #tpu.memory_space<hbm>>
      %dma_wait3A_182 = arith.constant 0 : i32
      %dma_wait3A_183 = tpu.memref_slice %arg6[%mul3A_164, %dma_wait3A_182] : memref<32768x32xf32, #tpu.memory_space<hbm>> -> memref<1024x32xf32, #tpu.memory_space<hbm>>
      tpu.wait_dma2 semaphore(%run_scoped3A_175 : memref<!tpu.dma_semaphore, #tpu.memory_space<semaphore_mem>>) src(%arg9 : memref<1024x32xf32, #tpu.memory_space<vmem>>) dst(%dma_wait3A_183 : memref<1024x32xf32, #tpu.memory_space<hbm>>)
      tpu.yield
    }) : () -> ()
    %run_scoped3A = arith.constant 0 : i32
    "tpu.region"() ({
      %run_scoped3A_175 = tpu.sem_alloc : memref<!tpu.dma_semaphore, #tpu.memory_space<semaphore_mem>>
      %dma_start3A_176 = arith.constant 0 : i32
      %dma_start3A_177 = tpu.memref_slice %arg8[%run_scoped3A, %dma_start3A_176] : memref<8x128xi32, #tpu.memory_space<vmem>> -> memref<1x128xi32, #tpu.memory_space<vmem>>
      %dma_start3A_178 = tpu.memref_squeeze %dma_start3A_177 : memref<1x128xi32, #tpu.memory_space<vmem>> -> memref<128xi32, #tpu.memory_space<vmem>>
      %dma_start3A_179 = arith.constant 0 : i32
      %dma_start3A_180 = arith.constant 0 : i32
      %dma_start3A_181 = tpu.memref_slice %arg11[%dma_start3A_179, %dma_start3A_180] : memref<8192x16xf32, #tpu.memory_space<vmem_shared>> -> memref<8192x16xf32, #tpu.memory_space<vmem_shared>>
      tpu.enqueue_indirect_dma source(%arg10 : memref<128x16xf32, #tpu.memory_space<vmem>>) target(%dma_start3A_181 : memref<8192x16xf32, #tpu.memory_space<vmem_shared>>) offsets(%dma_start3A_178 : memref<128xi32, #tpu.memory_space<vmem>>) semaphore(%run_scoped3A_175 : memref<!tpu.dma_semaphore, #tpu.memory_space<semaphore_mem>>) {add = true}
      %dma_wait3A_182 = arith.constant 0 : i32
      %dma_wait3A_183 = tpu.memref_slice %arg8[%run_scoped3A, %dma_wait3A_182] : memref<8x128xi32, #tpu.memory_space<vmem>> -> memref<1x128xi32, #tpu.memory_space<vmem>>
      %dma_wait3A_184 = tpu.memref_squeeze %dma_wait3A_183 : memref<1x128xi32, #tpu.memory_space<vmem>> -> memref<128xi32, #tpu.memory_space<vmem>>
      %dma_wait3A_185 = arith.constant 0 : i32
      %dma_wait3A_186 = arith.constant 0 : i32
      %dma_wait3A_187 = tpu.memref_slice %arg11[%dma_wait3A_185, %dma_wait3A_186] : memref<8192x16xf32, #tpu.memory_space<vmem_shared>> -> memref<8192x16xf32, #tpu.memory_space<vmem_shared>>
      tpu.wait_indirect_dma semaphore(%run_scoped3A_175 : memref<!tpu.dma_semaphore, #tpu.memory_space<semaphore_mem>>) src(%arg10 : memref<128x16xf32, #tpu.memory_space<vmem>>) dst(%dma_wait3A_187 : memref<8192x16xf32, #tpu.memory_space<vmem_shared>>)
      tpu.yield
    }) : () -> ()
    %run_scoped3A_165 = arith.constant 1 : i32
    "tpu.region"() ({
      %run_scoped3A_175 = tpu.sem_alloc : memref<!tpu.dma_semaphore, #tpu.memory_space<semaphore_mem>>
      %dma_start3A_176 = arith.constant 0 : i32
      %dma_start3A_177 = tpu.memref_slice %arg8[%run_scoped3A_165, %dma_start3A_176] : memref<8x128xi32, #tpu.memory_space<vmem>> -> memref<1x128xi32, #tpu.memory_space<vmem>>
      %dma_start3A_178 = tpu.memref_squeeze %dma_start3A_177 : memref<1x128xi32, #tpu.memory_space<vmem>> -> memref<128xi32, #tpu.memory_space<vmem>>
      %dma_start3A_179 = arith.constant 0 : i32
      %dma_start3A_180 = arith.constant 0 : i32
      %dma_start3A_181 = tpu.memref_slice %arg11[%dma_start3A_179, %dma_start3A_180] : memref<8192x16xf32, #tpu.memory_space<vmem_shared>> -> memref<8192x16xf32, #tpu.memory_space<vmem_shared>>
      tpu.enqueue_indirect_dma source(%arg10 : memref<128x16xf32, #tpu.memory_space<vmem>>) target(%dma_start3A_181 : memref<8192x16xf32, #tpu.memory_space<vmem_shared>>) offsets(%dma_start3A_178 : memref<128xi32, #tpu.memory_space<vmem>>) semaphore(%run_scoped3A_175 : memref<!tpu.dma_semaphore, #tpu.memory_space<semaphore_mem>>) {add = true}
      %dma_wait3A_182 = arith.constant 0 : i32
      %dma_wait3A_183 = tpu.memref_slice %arg8[%run_scoped3A_165, %dma_wait3A_182] : memref<8x128xi32, #tpu.memory_space<vmem>> -> memref<1x128xi32, #tpu.memory_space<vmem>>
      %dma_wait3A_184 = tpu.memref_squeeze %dma_wait3A_183 : memref<1x128xi32, #tpu.memory_space<vmem>> -> memref<128xi32, #tpu.memory_space<vmem>>
      %dma_wait3A_185 = arith.constant 0 : i32
      %dma_wait3A_186 = arith.constant 0 : i32
      %dma_wait3A_187 = tpu.memref_slice %arg11[%dma_wait3A_185, %dma_wait3A_186] : memref<8192x16xf32, #tpu.memory_space<vmem_shared>> -> memref<8192x16xf32, #tpu.memory_space<vmem_shared>>
      tpu.wait_indirect_dma semaphore(%run_scoped3A_175 : memref<!tpu.dma_semaphore, #tpu.memory_space<semaphore_mem>>) src(%arg10 : memref<128x16xf32, #tpu.memory_space<vmem>>) dst(%dma_wait3A_187 : memref<8192x16xf32, #tpu.memory_space<vmem_shared>>)
      tpu.yield
    }) : () -> ()
    %run_scoped3A_166 = arith.constant 2 : i32
    "tpu.region"() ({
      %run_scoped3A_175 = tpu.sem_alloc : memref<!tpu.dma_semaphore, #tpu.memory_space<semaphore_mem>>
      %dma_start3A_176 = arith.constant 0 : i32
      %dma_start3A_177 = tpu.memref_slice %arg8[%run_scoped3A_166, %dma_start3A_176] : memref<8x128xi32, #tpu.memory_space<vmem>> -> memref<1x128xi32, #tpu.memory_space<vmem>>
      %dma_start3A_178 = tpu.memref_squeeze %dma_start3A_177 : memref<1x128xi32, #tpu.memory_space<vmem>> -> memref<128xi32, #tpu.memory_space<vmem>>
      %dma_start3A_179 = arith.constant 0 : i32
      %dma_start3A_180 = arith.constant 0 : i32
      %dma_start3A_181 = tpu.memref_slice %arg11[%dma_start3A_179, %dma_start3A_180] : memref<8192x16xf32, #tpu.memory_space<vmem_shared>> -> memref<8192x16xf32, #tpu.memory_space<vmem_shared>>
      tpu.enqueue_indirect_dma source(%arg10 : memref<128x16xf32, #tpu.memory_space<vmem>>) target(%dma_start3A_181 : memref<8192x16xf32, #tpu.memory_space<vmem_shared>>) offsets(%dma_start3A_178 : memref<128xi32, #tpu.memory_space<vmem>>) semaphore(%run_scoped3A_175 : memref<!tpu.dma_semaphore, #tpu.memory_space<semaphore_mem>>) {add = true}
      %dma_wait3A_182 = arith.constant 0 : i32
      %dma_wait3A_183 = tpu.memref_slice %arg8[%run_scoped3A_166, %dma_wait3A_182] : memref<8x128xi32, #tpu.memory_space<vmem>> -> memref<1x128xi32, #tpu.memory_space<vmem>>
      %dma_wait3A_184 = tpu.memref_squeeze %dma_wait3A_183 : memref<1x128xi32, #tpu.memory_space<vmem>> -> memref<128xi32, #tpu.memory_space<vmem>>
      %dma_wait3A_185 = arith.constant 0 : i32
      %dma_wait3A_186 = arith.constant 0 : i32
      %dma_wait3A_187 = tpu.memref_slice %arg11[%dma_wait3A_185, %dma_wait3A_186] : memref<8192x16xf32, #tpu.memory_space<vmem_shared>> -> memref<8192x16xf32, #tpu.memory_space<vmem_shared>>
      tpu.wait_indirect_dma semaphore(%run_scoped3A_175 : memref<!tpu.dma_semaphore, #tpu.memory_space<semaphore_mem>>) src(%arg10 : memref<128x16xf32, #tpu.memory_space<vmem>>) dst(%dma_wait3A_187 : memref<8192x16xf32, #tpu.memory_space<vmem_shared>>)
      tpu.yield
    }) : () -> ()
    %run_scoped3A_167 = arith.constant 3 : i32
    "tpu.region"() ({
      %run_scoped3A_175 = tpu.sem_alloc : memref<!tpu.dma_semaphore, #tpu.memory_space<semaphore_mem>>
      %dma_start3A_176 = arith.constant 0 : i32
      %dma_start3A_177 = tpu.memref_slice %arg8[%run_scoped3A_167, %dma_start3A_176] : memref<8x128xi32, #tpu.memory_space<vmem>> -> memref<1x128xi32, #tpu.memory_space<vmem>>
      %dma_start3A_178 = tpu.memref_squeeze %dma_start3A_177 : memref<1x128xi32, #tpu.memory_space<vmem>> -> memref<128xi32, #tpu.memory_space<vmem>>
      %dma_start3A_179 = arith.constant 0 : i32
      %dma_start3A_180 = arith.constant 0 : i32
      %dma_start3A_181 = tpu.memref_slice %arg11[%dma_start3A_179, %dma_start3A_180] : memref<8192x16xf32, #tpu.memory_space<vmem_shared>> -> memref<8192x16xf32, #tpu.memory_space<vmem_shared>>
      tpu.enqueue_indirect_dma source(%arg10 : memref<128x16xf32, #tpu.memory_space<vmem>>) target(%dma_start3A_181 : memref<8192x16xf32, #tpu.memory_space<vmem_shared>>) offsets(%dma_start3A_178 : memref<128xi32, #tpu.memory_space<vmem>>) semaphore(%run_scoped3A_175 : memref<!tpu.dma_semaphore, #tpu.memory_space<semaphore_mem>>) {add = true}
      %dma_wait3A_182 = arith.constant 0 : i32
      %dma_wait3A_183 = tpu.memref_slice %arg8[%run_scoped3A_167, %dma_wait3A_182] : memref<8x128xi32, #tpu.memory_space<vmem>> -> memref<1x128xi32, #tpu.memory_space<vmem>>
      %dma_wait3A_184 = tpu.memref_squeeze %dma_wait3A_183 : memref<1x128xi32, #tpu.memory_space<vmem>> -> memref<128xi32, #tpu.memory_space<vmem>>
      %dma_wait3A_185 = arith.constant 0 : i32
      %dma_wait3A_186 = arith.constant 0 : i32
      %dma_wait3A_187 = tpu.memref_slice %arg11[%dma_wait3A_185, %dma_wait3A_186] : memref<8192x16xf32, #tpu.memory_space<vmem_shared>> -> memref<8192x16xf32, #tpu.memory_space<vmem_shared>>
      tpu.wait_indirect_dma semaphore(%run_scoped3A_175 : memref<!tpu.dma_semaphore, #tpu.memory_space<semaphore_mem>>) src(%arg10 : memref<128x16xf32, #tpu.memory_space<vmem>>) dst(%dma_wait3A_187 : memref<8192x16xf32, #tpu.memory_space<vmem_shared>>)
      tpu.yield
    }) : () -> ()
    %run_scoped3A_168 = arith.constant 4 : i32
    "tpu.region"() ({
      %run_scoped3A_175 = tpu.sem_alloc : memref<!tpu.dma_semaphore, #tpu.memory_space<semaphore_mem>>
      %dma_start3A_176 = arith.constant 0 : i32
      %dma_start3A_177 = tpu.memref_slice %arg8[%run_scoped3A_168, %dma_start3A_176] : memref<8x128xi32, #tpu.memory_space<vmem>> -> memref<1x128xi32, #tpu.memory_space<vmem>>
      %dma_start3A_178 = tpu.memref_squeeze %dma_start3A_177 : memref<1x128xi32, #tpu.memory_space<vmem>> -> memref<128xi32, #tpu.memory_space<vmem>>
      %dma_start3A_179 = arith.constant 0 : i32
      %dma_start3A_180 = arith.constant 0 : i32
      %dma_start3A_181 = tpu.memref_slice %arg11[%dma_start3A_179, %dma_start3A_180] : memref<8192x16xf32, #tpu.memory_space<vmem_shared>> -> memref<8192x16xf32, #tpu.memory_space<vmem_shared>>
      tpu.enqueue_indirect_dma source(%arg10 : memref<128x16xf32, #tpu.memory_space<vmem>>) target(%dma_start3A_181 : memref<8192x16xf32, #tpu.memory_space<vmem_shared>>) offsets(%dma_start3A_178 : memref<128xi32, #tpu.memory_space<vmem>>) semaphore(%run_scoped3A_175 : memref<!tpu.dma_semaphore, #tpu.memory_space<semaphore_mem>>) {add = true}
      %dma_wait3A_182 = arith.constant 0 : i32
      %dma_wait3A_183 = tpu.memref_slice %arg8[%run_scoped3A_168, %dma_wait3A_182] : memref<8x128xi32, #tpu.memory_space<vmem>> -> memref<1x128xi32, #tpu.memory_space<vmem>>
      %dma_wait3A_184 = tpu.memref_squeeze %dma_wait3A_183 : memref<1x128xi32, #tpu.memory_space<vmem>> -> memref<128xi32, #tpu.memory_space<vmem>>
      %dma_wait3A_185 = arith.constant 0 : i32
      %dma_wait3A_186 = arith.constant 0 : i32
      %dma_wait3A_187 = tpu.memref_slice %arg11[%dma_wait3A_185, %dma_wait3A_186] : memref<8192x16xf32, #tpu.memory_space<vmem_shared>> -> memref<8192x16xf32, #tpu.memory_space<vmem_shared>>
      tpu.wait_indirect_dma semaphore(%run_scoped3A_175 : memref<!tpu.dma_semaphore, #tpu.memory_space<semaphore_mem>>) src(%arg10 : memref<128x16xf32, #tpu.memory_space<vmem>>) dst(%dma_wait3A_187 : memref<8192x16xf32, #tpu.memory_space<vmem_shared>>)
      tpu.yield
    }) : () -> ()
    %run_scoped3A_169 = arith.constant 5 : i32
    "tpu.region"() ({
      %run_scoped3A_175 = tpu.sem_alloc : memref<!tpu.dma_semaphore, #tpu.memory_space<semaphore_mem>>
      %dma_start3A_176 = arith.constant 0 : i32
      %dma_start3A_177 = tpu.memref_slice %arg8[%run_scoped3A_169, %dma_start3A_176] : memref<8x128xi32, #tpu.memory_space<vmem>> -> memref<1x128xi32, #tpu.memory_space<vmem>>
      %dma_start3A_178 = tpu.memref_squeeze %dma_start3A_177 : memref<1x128xi32, #tpu.memory_space<vmem>> -> memref<128xi32, #tpu.memory_space<vmem>>
      %dma_start3A_179 = arith.constant 0 : i32
      %dma_start3A_180 = arith.constant 0 : i32
      %dma_start3A_181 = tpu.memref_slice %arg11[%dma_start3A_179, %dma_start3A_180] : memref<8192x16xf32, #tpu.memory_space<vmem_shared>> -> memref<8192x16xf32, #tpu.memory_space<vmem_shared>>
      tpu.enqueue_indirect_dma source(%arg10 : memref<128x16xf32, #tpu.memory_space<vmem>>) target(%dma_start3A_181 : memref<8192x16xf32, #tpu.memory_space<vmem_shared>>) offsets(%dma_start3A_178 : memref<128xi32, #tpu.memory_space<vmem>>) semaphore(%run_scoped3A_175 : memref<!tpu.dma_semaphore, #tpu.memory_space<semaphore_mem>>) {add = true}
      %dma_wait3A_182 = arith.constant 0 : i32
      %dma_wait3A_183 = tpu.memref_slice %arg8[%run_scoped3A_169, %dma_wait3A_182] : memref<8x128xi32, #tpu.memory_space<vmem>> -> memref<1x128xi32, #tpu.memory_space<vmem>>
      %dma_wait3A_184 = tpu.memref_squeeze %dma_wait3A_183 : memref<1x128xi32, #tpu.memory_space<vmem>> -> memref<128xi32, #tpu.memory_space<vmem>>
      %dma_wait3A_185 = arith.constant 0 : i32
      %dma_wait3A_186 = arith.constant 0 : i32
      %dma_wait3A_187 = tpu.memref_slice %arg11[%dma_wait3A_185, %dma_wait3A_186] : memref<8192x16xf32, #tpu.memory_space<vmem_shared>> -> memref<8192x16xf32, #tpu.memory_space<vmem_shared>>
      tpu.wait_indirect_dma semaphore(%run_scoped3A_175 : memref<!tpu.dma_semaphore, #tpu.memory_space<semaphore_mem>>) src(%arg10 : memref<128x16xf32, #tpu.memory_space<vmem>>) dst(%dma_wait3A_187 : memref<8192x16xf32, #tpu.memory_space<vmem_shared>>)
      tpu.yield
    }) : () -> ()
    %run_scoped3A_170 = arith.constant 6 : i32
    "tpu.region"() ({
      %run_scoped3A_175 = tpu.sem_alloc : memref<!tpu.dma_semaphore, #tpu.memory_space<semaphore_mem>>
      %dma_start3A_176 = arith.constant 0 : i32
      %dma_start3A_177 = tpu.memref_slice %arg8[%run_scoped3A_170, %dma_start3A_176] : memref<8x128xi32, #tpu.memory_space<vmem>> -> memref<1x128xi32, #tpu.memory_space<vmem>>
      %dma_start3A_178 = tpu.memref_squeeze %dma_start3A_177 : memref<1x128xi32, #tpu.memory_space<vmem>> -> memref<128xi32, #tpu.memory_space<vmem>>
      %dma_start3A_179 = arith.constant 0 : i32
      %dma_start3A_180 = arith.constant 0 : i32
      %dma_start3A_181 = tpu.memref_slice %arg11[%dma_start3A_179, %dma_start3A_180] : memref<8192x16xf32, #tpu.memory_space<vmem_shared>> -> memref<8192x16xf32, #tpu.memory_space<vmem_shared>>
      tpu.enqueue_indirect_dma source(%arg10 : memref<128x16xf32, #tpu.memory_space<vmem>>) target(%dma_start3A_181 : memref<8192x16xf32, #tpu.memory_space<vmem_shared>>) offsets(%dma_start3A_178 : memref<128xi32, #tpu.memory_space<vmem>>) semaphore(%run_scoped3A_175 : memref<!tpu.dma_semaphore, #tpu.memory_space<semaphore_mem>>) {add = true}
      %dma_wait3A_182 = arith.constant 0 : i32
      %dma_wait3A_183 = tpu.memref_slice %arg8[%run_scoped3A_170, %dma_wait3A_182] : memref<8x128xi32, #tpu.memory_space<vmem>> -> memref<1x128xi32, #tpu.memory_space<vmem>>
      %dma_wait3A_184 = tpu.memref_squeeze %dma_wait3A_183 : memref<1x128xi32, #tpu.memory_space<vmem>> -> memref<128xi32, #tpu.memory_space<vmem>>
      %dma_wait3A_185 = arith.constant 0 : i32
      %dma_wait3A_186 = arith.constant 0 : i32
      %dma_wait3A_187 = tpu.memref_slice %arg11[%dma_wait3A_185, %dma_wait3A_186] : memref<8192x16xf32, #tpu.memory_space<vmem_shared>> -> memref<8192x16xf32, #tpu.memory_space<vmem_shared>>
      tpu.wait_indirect_dma semaphore(%run_scoped3A_175 : memref<!tpu.dma_semaphore, #tpu.memory_space<semaphore_mem>>) src(%arg10 : memref<128x16xf32, #tpu.memory_space<vmem>>) dst(%dma_wait3A_187 : memref<8192x16xf32, #tpu.memory_space<vmem_shared>>)
      tpu.yield
    }) : () -> ()
    %run_scoped3A_171 = arith.constant 7 : i32
    "tpu.region"() ({
      %run_scoped3A_175 = tpu.sem_alloc : memref<!tpu.dma_semaphore, #tpu.memory_space<semaphore_mem>>
      %dma_start3A_176 = arith.constant 0 : i32
      %dma_start3A_177 = tpu.memref_slice %arg8[%run_scoped3A_171, %dma_start3A_176] : memref<8x128xi32, #tpu.memory_space<vmem>> -> memref<1x128xi32, #tpu.memory_space<vmem>>
      %dma_start3A_178 = tpu.memref_squeeze %dma_start3A_177 : memref<1x128xi32, #tpu.memory_space<vmem>> -> memref<128xi32, #tpu.memory_space<vmem>>
      %dma_start3A_179 = arith.constant 0 : i32
      %dma_start3A_180 = arith.constant 0 : i32
      %dma_start3A_181 = tpu.memref_slice %arg11[%dma_start3A_179, %dma_start3A_180] : memref<8192x16xf32, #tpu.memory_space<vmem_shared>> -> memref<8192x16xf32, #tpu.memory_space<vmem_shared>>
      tpu.enqueue_indirect_dma source(%arg10 : memref<128x16xf32, #tpu.memory_space<vmem>>) target(%dma_start3A_181 : memref<8192x16xf32, #tpu.memory_space<vmem_shared>>) offsets(%dma_start3A_178 : memref<128xi32, #tpu.memory_space<vmem>>) semaphore(%run_scoped3A_175 : memref<!tpu.dma_semaphore, #tpu.memory_space<semaphore_mem>>) {add = true}
      %dma_wait3A_182 = arith.constant 0 : i32
      %dma_wait3A_183 = tpu.memref_slice %arg8[%run_scoped3A_171, %dma_wait3A_182] : memref<8x128xi32, #tpu.memory_space<vmem>> -> memref<1x128xi32, #tpu.memory_space<vmem>>
      %dma_wait3A_184 = tpu.memref_squeeze %dma_wait3A_183 : memref<1x128xi32, #tpu.memory_space<vmem>> -> memref<128xi32, #tpu.memory_space<vmem>>
      %dma_wait3A_185 = arith.constant 0 : i32
      %dma_wait3A_186 = arith.constant 0 : i32
      %dma_wait3A_187 = tpu.memref_slice %arg11[%dma_wait3A_185, %dma_wait3A_186] : memref<8192x16xf32, #tpu.memory_space<vmem_shared>> -> memref<8192x16xf32, #tpu.memory_space<vmem_shared>>
      tpu.wait_indirect_dma semaphore(%run_scoped3A_175 : memref<!tpu.dma_semaphore, #tpu.memory_space<semaphore_mem>>) src(%arg10 : memref<128x16xf32, #tpu.memory_space<vmem>>) dst(%dma_wait3A_187 : memref<8192x16xf32, #tpu.memory_space<vmem_shared>>)
      tpu.yield
    }) : () -> ()
    %barrier3A_172 = arith.constant 0 : index
    tpu.barrier barrier_id(%barrier3A_172)
    %eq3A = arith.constant 0 : i32
    %eq3A_173 = arith.cmpi eq, %arg1, %eq3A : i32
    %convert_element_type3A = arith.extui %eq3A_173 : i1 to i32
    %cond3A = arith.constant 0 : i32
    %cond3A_174 = arith.cmpi ne, %convert_element_type3A, %cond3A : i32
    scf.if %cond3A_174 {
      "tpu.region"() ({
        %run_scoped3A_175 = tpu.sem_alloc : memref<!tpu.dma_semaphore, #tpu.memory_space<semaphore_mem>>
        %dma_start3A_176 = arith.constant 0 : i32
        %dma_start3A_177 = arith.constant 0 : i32
        %dma_start3A_178 = tpu.memref_slice %arg7[%arg0, %dma_start3A_176, %dma_start3A_177] : memref<2x8192x16xf32, #tpu.memory_space<hbm>> -> memref<1x8192x16xf32, #tpu.memory_space<hbm>>
        %dma_start3A_179 = tpu.memref_squeeze %dma_start3A_178 : memref<1x8192x16xf32, #tpu.memory_space<hbm>> -> memref<8192x16xf32, #tpu.memory_space<hbm>>
        tpu.enqueue_dma source(%arg11 : memref<8192x16xf32, #tpu.memory_space<vmem_shared>>) target(%dma_start3A_179 : memref<8192x16xf32, #tpu.memory_space<hbm>>) target_semaphore(%run_scoped3A_175 : memref<!tpu.dma_semaphore, #tpu.memory_space<semaphore_mem>>)
        %dma_wait3A_180 = arith.constant 0 : i32
        %dma_wait3A_181 = arith.constant 0 : i32
        %dma_wait3A_182 = tpu.memref_slice %arg7[%arg0, %dma_wait3A_180, %dma_wait3A_181] : memref<2x8192x16xf32, #tpu.memory_space<hbm>> -> memref<1x8192x16xf32, #tpu.memory_space<hbm>>
        %dma_wait3A_183 = tpu.memref_squeeze %dma_wait3A_182 : memref<1x8192x16xf32, #tpu.memory_space<hbm>> -> memref<8192x16xf32, #tpu.memory_space<hbm>>
        tpu.wait_dma2 semaphore(%run_scoped3A_175 : memref<!tpu.dma_semaphore, #tpu.memory_space<semaphore_mem>>) src(%arg11 : memref<8192x16xf32, #tpu.memory_space<vmem_shared>>) dst(%dma_wait3A_183 : memref<8192x16xf32, #tpu.memory_space<hbm>>)
        tpu.yield
      }) : () -> ()
    } else {
    }
    return
  }
}

module attributes {stable_mosaic.version = 14 : i64} {
  func.func @_argmin_body(%arg0: i32, %arg1: memref<1024x32xf32, #tpu.memory_space<vmem>>, %arg2: memref<32x8192xf32, #tpu.memory_space<vmem>>, %arg3: memref<1024xi32, #tpu.memory_space<vmem>>) attributes {dimension_semantics = [#tpu.dimension_semantics<parallel>], iteration_bounds = array<i64: 32>, scalar_prefetch = 0 : i64, scratch_operands = 0 : i64, tpu.core_type = #tpu.core_type<tc>, window_params = [{transform_indices = @transform_0, window_bounds = array<i64: 1024, 32>}, {pipeline_mode = #tpu.pipeline_mode<synchronous>, transform_indices = @transform_1, window_bounds = array<i64: 32, 8192>}, {transform_indices = @transform_2, window_bounds = array<i64: 1024>}]} {
    %get3A = arith.constant 0 : index
    %get3A_0 = arith.constant 0 : index
    %get3A_1 = vector.load %arg1[%get3A, %get3A_0] : memref<1024x32xf32, #tpu.memory_space<vmem>>, vector<1024x32xf32>
    %mul3A = arith.mulf %get3A_1, %get3A_1 : vector<1024x32xf32>
    %reduce_sum3A = arith.constant dense<0.000000e+00> : vector<1024xf32>
    %reduce_sum3A_2 = vector.multi_reduction <add>, %mul3A, %reduce_sum3A [1] : vector<1024x32xf32> to vector<1024xf32>
    %broadcast_in_dim3A = vector.shape_cast %reduce_sum3A_2 : vector<1024xf32> to vector<1024x1xf32>
    %broadcast_in_dim3A_3 = arith.constant 0x7F800000 : f32
    %broadcast_in_dim3A_4 = vector.broadcast %broadcast_in_dim3A_3 : f32 to vector<1024x1xf32>
    %broadcast_in_dim3A_5 = arith.constant 0 : i32
    %broadcast_in_dim3A_6 = vector.broadcast %broadcast_in_dim3A_5 : i32 to vector<1024x1xi32>
    %get3A_7 = arith.constant 0 : index
    %get3A_8 = arith.constant 0 : index
    %get3A_9 = vector.load %arg2[%get3A_7, %get3A_8] : memref<32x8192xf32, #tpu.memory_space<vmem>>, vector<32x2048xf32>
    %mul3A_10 = arith.mulf %get3A_9, %get3A_9 : vector<32x2048xf32>
    %reduce_sum3A_11 = arith.constant dense<0.000000e+00> : vector<2048xf32>
    %reduce_sum3A_12 = vector.multi_reduction <add>, %mul3A_10, %reduce_sum3A_11 [0] : vector<32x2048xf32> to vector<2048xf32>
    %broadcast_in_dim3A_13 = vector.shape_cast %reduce_sum3A_12 : vector<2048xf32> to vector<1x2048xf32>
    %convert_element_type3A = arith.truncf %get3A_9 : vector<32x2048xf32> to vector<32x2048xbf16>
    %convert_element_type3A_14 = arith.extf %convert_element_type3A : vector<32x2048xbf16> to vector<32x2048xf32>
    %dot_general3A = arith.constant dense<0.000000e+00> : vector<1024x2048xf32>
    %dot_general3A_15 = tpu.matmul %get3A_1, %convert_element_type3A_14, %dot_general3A {dimension_numbers = #tpu.dot_dimension_numbers<[1], [0], [0], [1], [0, 0, 1, 1], [], []>, transpose_lhs_hint = false} : vector<1024x32xf32>, vector<32x2048xf32>, vector<1024x2048xf32> -> vector<1024x2048xf32>
    %add3A = vector.broadcast %broadcast_in_dim3A : vector<1024x1xf32> to vector<1024x2048xf32>
    %add3A_16 = vector.broadcast %broadcast_in_dim3A_13 : vector<1x2048xf32> to vector<1024x2048xf32>
    %add3A_17 = arith.addf %add3A, %add3A_16 : vector<1024x2048xf32>
    %mul3A_18 = arith.constant 2.000000e+00 : f32
    %mul3A_19 = vector.broadcast %mul3A_18 : f32 to vector<1024x2048xf32>
    %mul3A_20 = arith.mulf %mul3A_19, %dot_general3A_15 : vector<1024x2048xf32>
    %sub3A = arith.subf %add3A_17, %mul3A_20 : vector<1024x2048xf32>
    %reduce_min3A = arith.constant dense<0x7F800000> : vector<1024xf32>
    %reduce_min3A_21 = vector.multi_reduction <minimumf>, %sub3A, %reduce_min3A [1] : vector<1024x2048xf32> to vector<1024xf32>
    %broadcast_in_dim3A_22 = vector.shape_cast %reduce_min3A_21 : vector<1024xf32> to vector<1024x1xf32>
    %iota3A = tpu.iota {dimensions = array<i32: 1>} : vector<1024x2048xi32>
    %eq3A = vector.broadcast %broadcast_in_dim3A_22 : vector<1024x1xf32> to vector<1024x2048xf32>
    %eq3A_23 = arith.cmpf oeq, %sub3A, %eq3A : vector<1024x2048xf32>
    %jit3A = arith.constant 1073741824 : i32
    %broadcast_in_dim3A_24 = vector.broadcast %jit3A : i32 to vector<1024x2048xi32>
    %select_n3A = arith.select %eq3A_23, %iota3A, %broadcast_in_dim3A_24 : vector<1024x2048xi1>, vector<1024x2048xi32>
    %reduce_min3A_25 = arith.constant dense<2147483647> : vector<1024xi32>
    %reduce_min3A_26 = vector.multi_reduction <minsi>, %select_n3A, %reduce_min3A_25 [1] : vector<1024x2048xi32> to vector<1024xi32>
    %broadcast_in_dim3A_27 = vector.shape_cast %reduce_min3A_26 : vector<1024xi32> to vector<1024x1xi32>
    %add3A_28 = arith.constant 0 : i32
    %add3A_29 = vector.broadcast %add3A_28 : i32 to vector<1024x1xi32>
    %add3A_30 = arith.addi %broadcast_in_dim3A_27, %add3A_29 : vector<1024x1xi32>
    %lt3A = arith.cmpf olt, %broadcast_in_dim3A_22, %broadcast_in_dim3A_4 : vector<1024x1xf32>
    %eq3A_31 = arith.cmpf oeq, %broadcast_in_dim3A_22, %broadcast_in_dim3A_4 : vector<1024x1xf32>
    %lt3A_32 = arith.cmpi slt, %add3A_30, %broadcast_in_dim3A_6 : vector<1024x1xi32>
    %and3A = arith.andi %eq3A_31, %lt3A_32 : vector<1024x1xi1>
    %or3A = arith.ori %lt3A, %and3A : vector<1024x1xi1>
    %select_n3A_33 = arith.select %or3A, %broadcast_in_dim3A_22, %broadcast_in_dim3A_4 : vector<1024x1xi1>, vector<1024x1xf32>
    %select_n3A_34 = arith.select %or3A, %add3A_30, %broadcast_in_dim3A_6 : vector<1024x1xi1>, vector<1024x1xi32>
    %get3A_35 = arith.constant 0 : index
    %get3A_36 = arith.constant 2048 : index
    %get3A_37 = vector.load %arg2[%get3A_35, %get3A_36] : memref<32x8192xf32, #tpu.memory_space<vmem>>, vector<32x2048xf32>
    %mul3A_38 = arith.mulf %get3A_37, %get3A_37 : vector<32x2048xf32>
    %reduce_sum3A_39 = arith.constant dense<0.000000e+00> : vector<2048xf32>
    %reduce_sum3A_40 = vector.multi_reduction <add>, %mul3A_38, %reduce_sum3A_39 [0] : vector<32x2048xf32> to vector<2048xf32>
    %broadcast_in_dim3A_41 = vector.shape_cast %reduce_sum3A_40 : vector<2048xf32> to vector<1x2048xf32>
    %convert_element_type3A_42 = arith.truncf %get3A_37 : vector<32x2048xf32> to vector<32x2048xbf16>
    %convert_element_type3A_43 = arith.extf %convert_element_type3A_42 : vector<32x2048xbf16> to vector<32x2048xf32>
    %dot_general3A_44 = arith.constant dense<0.000000e+00> : vector<1024x2048xf32>
    %dot_general3A_45 = tpu.matmul %get3A_1, %convert_element_type3A_43, %dot_general3A_44 {dimension_numbers = #tpu.dot_dimension_numbers<[1], [0], [0], [1], [0, 0, 1, 1], [], []>, transpose_lhs_hint = false} : vector<1024x32xf32>, vector<32x2048xf32>, vector<1024x2048xf32> -> vector<1024x2048xf32>
    %add3A_46 = vector.broadcast %broadcast_in_dim3A : vector<1024x1xf32> to vector<1024x2048xf32>
    %add3A_47 = vector.broadcast %broadcast_in_dim3A_41 : vector<1x2048xf32> to vector<1024x2048xf32>
    %add3A_48 = arith.addf %add3A_46, %add3A_47 : vector<1024x2048xf32>
    %mul3A_49 = arith.constant 2.000000e+00 : f32
    %mul3A_50 = vector.broadcast %mul3A_49 : f32 to vector<1024x2048xf32>
    %mul3A_51 = arith.mulf %mul3A_50, %dot_general3A_45 : vector<1024x2048xf32>
    %sub3A_52 = arith.subf %add3A_48, %mul3A_51 : vector<1024x2048xf32>
    %reduce_min3A_53 = arith.constant dense<0x7F800000> : vector<1024xf32>
    %reduce_min3A_54 = vector.multi_reduction <minimumf>, %sub3A_52, %reduce_min3A_53 [1] : vector<1024x2048xf32> to vector<1024xf32>
    %broadcast_in_dim3A_55 = vector.shape_cast %reduce_min3A_54 : vector<1024xf32> to vector<1024x1xf32>
    %iota3A_56 = tpu.iota {dimensions = array<i32: 1>} : vector<1024x2048xi32>
    %eq3A_57 = vector.broadcast %broadcast_in_dim3A_55 : vector<1024x1xf32> to vector<1024x2048xf32>
    %eq3A_58 = arith.cmpf oeq, %sub3A_52, %eq3A_57 : vector<1024x2048xf32>
    %jit3A_59 = arith.constant 1073741824 : i32
    %broadcast_in_dim3A_60 = vector.broadcast %jit3A_59 : i32 to vector<1024x2048xi32>
    %select_n3A_61 = arith.select %eq3A_58, %iota3A_56, %broadcast_in_dim3A_60 : vector<1024x2048xi1>, vector<1024x2048xi32>
    %reduce_min3A_62 = arith.constant dense<2147483647> : vector<1024xi32>
    %reduce_min3A_63 = vector.multi_reduction <minsi>, %select_n3A_61, %reduce_min3A_62 [1] : vector<1024x2048xi32> to vector<1024xi32>
    %broadcast_in_dim3A_64 = vector.shape_cast %reduce_min3A_63 : vector<1024xi32> to vector<1024x1xi32>
    %add3A_65 = arith.constant 2048 : i32
    %add3A_66 = vector.broadcast %add3A_65 : i32 to vector<1024x1xi32>
    %add3A_67 = arith.addi %broadcast_in_dim3A_64, %add3A_66 : vector<1024x1xi32>
    %lt3A_68 = arith.cmpf olt, %broadcast_in_dim3A_55, %select_n3A_33 : vector<1024x1xf32>
    %eq3A_69 = arith.cmpf oeq, %broadcast_in_dim3A_55, %select_n3A_33 : vector<1024x1xf32>
    %lt3A_70 = arith.cmpi slt, %add3A_67, %select_n3A_34 : vector<1024x1xi32>
    %and3A_71 = arith.andi %eq3A_69, %lt3A_70 : vector<1024x1xi1>
    %or3A_72 = arith.ori %lt3A_68, %and3A_71 : vector<1024x1xi1>
    %select_n3A_73 = arith.select %or3A_72, %broadcast_in_dim3A_55, %select_n3A_33 : vector<1024x1xi1>, vector<1024x1xf32>
    %select_n3A_74 = arith.select %or3A_72, %add3A_67, %select_n3A_34 : vector<1024x1xi1>, vector<1024x1xi32>
    %get3A_75 = arith.constant 0 : index
    %get3A_76 = arith.constant 4096 : index
    %get3A_77 = vector.load %arg2[%get3A_75, %get3A_76] : memref<32x8192xf32, #tpu.memory_space<vmem>>, vector<32x2048xf32>
    %mul3A_78 = arith.mulf %get3A_77, %get3A_77 : vector<32x2048xf32>
    %reduce_sum3A_79 = arith.constant dense<0.000000e+00> : vector<2048xf32>
    %reduce_sum3A_80 = vector.multi_reduction <add>, %mul3A_78, %reduce_sum3A_79 [0] : vector<32x2048xf32> to vector<2048xf32>
    %broadcast_in_dim3A_81 = vector.shape_cast %reduce_sum3A_80 : vector<2048xf32> to vector<1x2048xf32>
    %convert_element_type3A_82 = arith.truncf %get3A_77 : vector<32x2048xf32> to vector<32x2048xbf16>
    %convert_element_type3A_83 = arith.extf %convert_element_type3A_82 : vector<32x2048xbf16> to vector<32x2048xf32>
    %dot_general3A_84 = arith.constant dense<0.000000e+00> : vector<1024x2048xf32>
    %dot_general3A_85 = tpu.matmul %get3A_1, %convert_element_type3A_83, %dot_general3A_84 {dimension_numbers = #tpu.dot_dimension_numbers<[1], [0], [0], [1], [0, 0, 1, 1], [], []>, transpose_lhs_hint = false} : vector<1024x32xf32>, vector<32x2048xf32>, vector<1024x2048xf32> -> vector<1024x2048xf32>
    %add3A_86 = vector.broadcast %broadcast_in_dim3A : vector<1024x1xf32> to vector<1024x2048xf32>
    %add3A_87 = vector.broadcast %broadcast_in_dim3A_81 : vector<1x2048xf32> to vector<1024x2048xf32>
    %add3A_88 = arith.addf %add3A_86, %add3A_87 : vector<1024x2048xf32>
    %mul3A_89 = arith.constant 2.000000e+00 : f32
    %mul3A_90 = vector.broadcast %mul3A_89 : f32 to vector<1024x2048xf32>
    %mul3A_91 = arith.mulf %mul3A_90, %dot_general3A_85 : vector<1024x2048xf32>
    %sub3A_92 = arith.subf %add3A_88, %mul3A_91 : vector<1024x2048xf32>
    %reduce_min3A_93 = arith.constant dense<0x7F800000> : vector<1024xf32>
    %reduce_min3A_94 = vector.multi_reduction <minimumf>, %sub3A_92, %reduce_min3A_93 [1] : vector<1024x2048xf32> to vector<1024xf32>
    %broadcast_in_dim3A_95 = vector.shape_cast %reduce_min3A_94 : vector<1024xf32> to vector<1024x1xf32>
    %iota3A_96 = tpu.iota {dimensions = array<i32: 1>} : vector<1024x2048xi32>
    %eq3A_97 = vector.broadcast %broadcast_in_dim3A_95 : vector<1024x1xf32> to vector<1024x2048xf32>
    %eq3A_98 = arith.cmpf oeq, %sub3A_92, %eq3A_97 : vector<1024x2048xf32>
    %jit3A_99 = arith.constant 1073741824 : i32
    %broadcast_in_dim3A_100 = vector.broadcast %jit3A_99 : i32 to vector<1024x2048xi32>
    %select_n3A_101 = arith.select %eq3A_98, %iota3A_96, %broadcast_in_dim3A_100 : vector<1024x2048xi1>, vector<1024x2048xi32>
    %reduce_min3A_102 = arith.constant dense<2147483647> : vector<1024xi32>
    %reduce_min3A_103 = vector.multi_reduction <minsi>, %select_n3A_101, %reduce_min3A_102 [1] : vector<1024x2048xi32> to vector<1024xi32>
    %broadcast_in_dim3A_104 = vector.shape_cast %reduce_min3A_103 : vector<1024xi32> to vector<1024x1xi32>
    %add3A_105 = arith.constant 4096 : i32
    %add3A_106 = vector.broadcast %add3A_105 : i32 to vector<1024x1xi32>
    %add3A_107 = arith.addi %broadcast_in_dim3A_104, %add3A_106 : vector<1024x1xi32>
    %lt3A_108 = arith.cmpf olt, %broadcast_in_dim3A_95, %select_n3A_73 : vector<1024x1xf32>
    %eq3A_109 = arith.cmpf oeq, %broadcast_in_dim3A_95, %select_n3A_73 : vector<1024x1xf32>
    %lt3A_110 = arith.cmpi slt, %add3A_107, %select_n3A_74 : vector<1024x1xi32>
    %and3A_111 = arith.andi %eq3A_109, %lt3A_110 : vector<1024x1xi1>
    %or3A_112 = arith.ori %lt3A_108, %and3A_111 : vector<1024x1xi1>
    %select_n3A_113 = arith.select %or3A_112, %broadcast_in_dim3A_95, %select_n3A_73 : vector<1024x1xi1>, vector<1024x1xf32>
    %select_n3A_114 = arith.select %or3A_112, %add3A_107, %select_n3A_74 : vector<1024x1xi1>, vector<1024x1xi32>
    %get3A_115 = arith.constant 0 : index
    %get3A_116 = arith.constant 6144 : index
    %get3A_117 = vector.load %arg2[%get3A_115, %get3A_116] : memref<32x8192xf32, #tpu.memory_space<vmem>>, vector<32x2048xf32>
    %mul3A_118 = arith.mulf %get3A_117, %get3A_117 : vector<32x2048xf32>
    %reduce_sum3A_119 = arith.constant dense<0.000000e+00> : vector<2048xf32>
    %reduce_sum3A_120 = vector.multi_reduction <add>, %mul3A_118, %reduce_sum3A_119 [0] : vector<32x2048xf32> to vector<2048xf32>
    %broadcast_in_dim3A_121 = vector.shape_cast %reduce_sum3A_120 : vector<2048xf32> to vector<1x2048xf32>
    %convert_element_type3A_122 = arith.truncf %get3A_117 : vector<32x2048xf32> to vector<32x2048xbf16>
    %convert_element_type3A_123 = arith.extf %convert_element_type3A_122 : vector<32x2048xbf16> to vector<32x2048xf32>
    %dot_general3A_124 = arith.constant dense<0.000000e+00> : vector<1024x2048xf32>
    %dot_general3A_125 = tpu.matmul %get3A_1, %convert_element_type3A_123, %dot_general3A_124 {dimension_numbers = #tpu.dot_dimension_numbers<[1], [0], [0], [1], [0, 0, 1, 1], [], []>, transpose_lhs_hint = false} : vector<1024x32xf32>, vector<32x2048xf32>, vector<1024x2048xf32> -> vector<1024x2048xf32>
    %add3A_126 = vector.broadcast %broadcast_in_dim3A : vector<1024x1xf32> to vector<1024x2048xf32>
    %add3A_127 = vector.broadcast %broadcast_in_dim3A_121 : vector<1x2048xf32> to vector<1024x2048xf32>
    %add3A_128 = arith.addf %add3A_126, %add3A_127 : vector<1024x2048xf32>
    %mul3A_129 = arith.constant 2.000000e+00 : f32
    %mul3A_130 = vector.broadcast %mul3A_129 : f32 to vector<1024x2048xf32>
    %mul3A_131 = arith.mulf %mul3A_130, %dot_general3A_125 : vector<1024x2048xf32>
    %sub3A_132 = arith.subf %add3A_128, %mul3A_131 : vector<1024x2048xf32>
    %reduce_min3A_133 = arith.constant dense<0x7F800000> : vector<1024xf32>
    %reduce_min3A_134 = vector.multi_reduction <minimumf>, %sub3A_132, %reduce_min3A_133 [1] : vector<1024x2048xf32> to vector<1024xf32>
    %broadcast_in_dim3A_135 = vector.shape_cast %reduce_min3A_134 : vector<1024xf32> to vector<1024x1xf32>
    %iota3A_136 = tpu.iota {dimensions = array<i32: 1>} : vector<1024x2048xi32>
    %eq3A_137 = vector.broadcast %broadcast_in_dim3A_135 : vector<1024x1xf32> to vector<1024x2048xf32>
    %eq3A_138 = arith.cmpf oeq, %sub3A_132, %eq3A_137 : vector<1024x2048xf32>
    %jit3A_139 = arith.constant 1073741824 : i32
    %broadcast_in_dim3A_140 = vector.broadcast %jit3A_139 : i32 to vector<1024x2048xi32>
    %select_n3A_141 = arith.select %eq3A_138, %iota3A_136, %broadcast_in_dim3A_140 : vector<1024x2048xi1>, vector<1024x2048xi32>
    %reduce_min3A_142 = arith.constant dense<2147483647> : vector<1024xi32>
    %reduce_min3A_143 = vector.multi_reduction <minsi>, %select_n3A_141, %reduce_min3A_142 [1] : vector<1024x2048xi32> to vector<1024xi32>
    %broadcast_in_dim3A_144 = vector.shape_cast %reduce_min3A_143 : vector<1024xi32> to vector<1024x1xi32>
    %add3A_145 = arith.constant 6144 : i32
    %add3A_146 = vector.broadcast %add3A_145 : i32 to vector<1024x1xi32>
    %add3A_147 = arith.addi %broadcast_in_dim3A_144, %add3A_146 : vector<1024x1xi32>
    %lt3A_148 = arith.cmpf olt, %broadcast_in_dim3A_135, %select_n3A_113 : vector<1024x1xf32>
    %eq3A_149 = arith.cmpf oeq, %broadcast_in_dim3A_135, %select_n3A_113 : vector<1024x1xf32>
    %lt3A_150 = arith.cmpi slt, %add3A_147, %select_n3A_114 : vector<1024x1xi32>
    %and3A_151 = arith.andi %eq3A_149, %lt3A_150 : vector<1024x1xi1>
    %or3A_152 = arith.ori %lt3A_148, %and3A_151 : vector<1024x1xi1>
    %select_n3A_153 = arith.select %or3A_152, %add3A_147, %select_n3A_114 : vector<1024x1xi1>, vector<1024x1xi32>
    %squeeze3A = vector.shape_cast %select_n3A_153 : vector<1024x1xi32> to vector<1024xi32>
    %swap3A = arith.constant 0 : index
    %swap3A_154 = vector.load %arg3[%swap3A] : memref<1024xi32, #tpu.memory_space<vmem>>, vector<1024xi32>
    tpu.vector_store %arg3[%swap3A], %squeeze3A {strides = array<i32>} : memref<1024xi32, #tpu.memory_space<vmem>>, vector<1024xi32>,
    return
  }
  func.func @transform_0(%arg0: i32) -> (i32, i32) {
    %c0_i32 = arith.constant 0 : i32
    %c0_i32_0 = arith.constant 0 : i32
    return %arg0, %c0_i32 : i32, i32
  }
  func.func @transform_1(%arg0: i32) -> (i32, i32) {
    %c0_i32 = arith.constant 0 : i32
    %c0_i32_0 = arith.constant 0 : i32
    %c0_i32_1 = arith.constant 0 : i32
    return %c0_i32, %c0_i32_0 : i32, i32
  }
  func.func @transform_2(%arg0: i32) -> i32 {
    %c0_i32 = arith.constant 0 : i32
    return %arg0 : i32
  }
}

module attributes {stable_mosaic.version = 14 : i64} {
  func.func @_final_body(%arg0: i32, %arg1: memref<4096x32xf32, #tpu.memory_space<vmem>>, %arg2: memref<4096x32xf32, #tpu.memory_space<vmem>>, %arg3: memref<64x128xf32, #tpu.memory_space<vmem>>, %arg4: memref<4096x32xf32, #tpu.memory_space<vmem>>, %arg5: memref<8x128xf32, #tpu.memory_space<vmem>>, %arg6: memref<8x128xf32, #tpu.memory_space<vmem>>, %arg7: memref<1xf32, #tpu.memory_space<smem>>) attributes {dimension_semantics = [#tpu.dimension_semantics<arbitrary>], iteration_bounds = array<i64: 8>, scalar_prefetch = 0 : i64, scratch_operands = 1 : i64, tpu.core_type = #tpu.core_type<tc>, window_params = [{transform_indices = @transform_0, window_bounds = array<i64: 4096, 32>}, {transform_indices = @transform_1, window_bounds = array<i64: 4096, 32>}, {pipeline_mode = #tpu.pipeline_mode<synchronous>, transform_indices = @transform_2, window_bounds = array<i64: 64, 128>}, {transform_indices = @transform_3, window_bounds = array<i64: 4096, 32>}, {pipeline_mode = #tpu.pipeline_mode<synchronous>, transform_indices = @transform_4, window_bounds = array<i64: 8, 128>}, {pipeline_mode = #tpu.pipeline_mode<synchronous>, transform_indices = @transform_5, window_bounds = array<i64: 8, 128>}]} {
    %get3A = arith.constant 0 : index
    %get3A_0 = arith.constant 0 : index
    %get3A_1 = vector.load %arg1[%get3A, %get3A_0] : memref<4096x32xf32, #tpu.memory_space<vmem>>, vector<4096x32xf32>
    %get3A_2 = arith.constant 0 : index
    %get3A_3 = arith.constant 0 : index
    %get3A_4 = vector.load %arg2[%get3A_2, %get3A_3] : memref<4096x32xf32, #tpu.memory_space<vmem>>, vector<4096x32xf32>
    %sub3A = arith.subf %get3A_4, %get3A_1 : vector<4096x32xf32>
    %add3A = arith.addf %get3A_1, %sub3A : vector<4096x32xf32>
    %swap3A = arith.constant 0 : index
    %swap3A_5 = arith.constant 0 : index
    %swap3A_6 = vector.load %arg4[%swap3A, %swap3A_5] : memref<4096x32xf32, #tpu.memory_space<vmem>>, vector<4096x32xf32>
    tpu.vector_store %arg4[%swap3A, %swap3A_5], %add3A {strides = array<i32>} : memref<4096x32xf32, #tpu.memory_space<vmem>>, vector<4096x32xf32>,
    %mul3A = arith.mulf %sub3A, %sub3A : vector<4096x32xf32>
    %reduce_sum3A = vector.shape_cast %mul3A : vector<4096x32xf32> to vector<1x4096x32xf32>
    %reduce_sum3A_7 = arith.constant dense<0.000000e+00> : vector<1xf32>
    %reduce_sum3A_8 = vector.multi_reduction <add>, %reduce_sum3A, %reduce_sum3A_7 [1, 2] : vector<1x4096x32xf32> to vector<1xf32>
    %reduce_sum3A_9 = vector.shape_cast %reduce_sum3A_8 : vector<1xf32> to vector<1x1x1xf32>
    %reduce_sum3A_10 = vector.extract %reduce_sum3A_9[0, 0, 0] : f32 from vector<1x1x1xf32>
    %eq3A = arith.constant 0 : i32
    %eq3A_11 = arith.cmpi eq, %arg0, %eq3A : i32
    %convert_element_type3A = arith.extui %eq3A_11 : i1 to i32
    %cond3A = arith.constant 0 : i32
    %cond3A_12 = arith.cmpi ne, %convert_element_type3A, %cond3A : i32
    scf.if %cond3A_12 {
      %swap3A_22 = arith.constant 0 : index
      %swap3A_23 = memref.load %arg7[%swap3A_22] : memref<1xf32, #tpu.memory_space<smem>>
      memref.store %reduce_sum3A_10, %arg7[%swap3A_22] : memref<1xf32, #tpu.memory_space<smem>>
    } else {
    }
    %gt3A = arith.constant 0 : i32
    %gt3A_13 = arith.cmpi sgt, %arg0, %gt3A : i32
    %convert_element_type3A_14 = arith.extui %gt3A_13 : i1 to i32
    %cond3A_15 = arith.constant 0 : i32
    %cond3A_16 = arith.cmpi ne, %convert_element_type3A_14, %cond3A_15 : i32
    scf.if %cond3A_16 {
      %get3A_22 = arith.constant 0 : index
      %get3A_23 = memref.load %arg7[%get3A_22] : memref<1xf32, #tpu.memory_space<smem>>
      %add3A_24 = arith.addf %get3A_23, %reduce_sum3A_10 : f32
      %swap3A_25 = arith.constant 0 : index
      %swap3A_26 = memref.load %arg7[%swap3A_25] : memref<1xf32, #tpu.memory_space<smem>>
      memref.store %add3A_24, %arg7[%swap3A_25] : memref<1xf32, #tpu.memory_space<smem>>
    } else {
    }
    %eq3A_17 = arith.constant 7 : i32
    %eq3A_18 = arith.cmpi eq, %arg0, %eq3A_17 : i32
    %convert_element_type3A_19 = arith.extui %eq3A_18 : i1 to i32
    %cond3A_20 = arith.constant 0 : i32
    %cond3A_21 = arith.cmpi ne, %convert_element_type3A_19, %cond3A_20 : i32
    scf.if %cond3A_21 {
      %get3A_22 = arith.constant 0 : index
      %get3A_23 = memref.load %arg7[%get3A_22] : memref<1xf32, #tpu.memory_space<smem>>
      %div3A = arith.constant 0x49800000 : f32
      %div3A_24 = arith.divf %get3A_23, %div3A : f32
      %broadcast_in_dim3A = vector.broadcast %div3A_24 : f32 to vector<8x128xf32>
      %swap3A_25 = arith.constant 0 : index
      %swap3A_26 = arith.constant 0 : index
      %swap3A_27 = vector.load %arg5[%swap3A_25, %swap3A_26] : memref<8x128xf32, #tpu.memory_space<vmem>>, vector<8x128xf32>
      tpu.vector_store %arg5[%swap3A_25, %swap3A_26], %broadcast_in_dim3A {strides = array<i32>} : memref<8x128xf32, #tpu.memory_space<vmem>>, vector<8x128xf32>,
      %get3A_28 = arith.constant 0 : index
      %get3A_29 = arith.constant 0 : index
      %get3A_30 = vector.load %arg3[%get3A_28, %get3A_29] : memref<64x128xf32, #tpu.memory_space<vmem>>, vector<64x128xf32>
      %div3A_31 = arith.constant 3.276800e+04 : f32
      %div3A_32 = vector.broadcast %div3A_31 : f32 to vector<64x128xf32>
      %div3A_33 = arith.divf %get3A_30, %div3A_32 : vector<64x128xf32>
      %add3A_34 = arith.constant 9.99999993E-9 : f32
      %add3A_35 = vector.broadcast %add3A_34 : f32 to vector<64x128xf32>
      %add3A_36 = arith.addf %div3A_33, %add3A_35 : vector<64x128xf32>
      %log3A = math.log %add3A_36 : vector<64x128xf32>
      %mul3A_37 = arith.mulf %div3A_33, %log3A : vector<64x128xf32>
      %reduce_sum3A_38 = vector.shape_cast %mul3A_37 : vector<64x128xf32> to vector<1x64x128xf32>
      %reduce_sum3A_39 = arith.constant dense<0.000000e+00> : vector<1xf32>
      %reduce_sum3A_40 = vector.multi_reduction <add>, %reduce_sum3A_38, %reduce_sum3A_39 [1, 2] : vector<1x64x128xf32> to vector<1xf32>
      %reduce_sum3A_41 = vector.shape_cast %reduce_sum3A_40 : vector<1xf32> to vector<1x1x1xf32>
      %reduce_sum3A_42 = vector.extract %reduce_sum3A_41[0, 0, 0] : f32 from vector<1x1x1xf32>
      %neg3A = arith.constant 0.000000e+00 : f32
      %neg3A_43 = arith.subf %neg3A, %reduce_sum3A_42 : f32
      %broadcast_in_dim3A_44 = vector.broadcast %neg3A_43 : f32 to vector<8x128xf32>
      %swap3A_45 = arith.constant 0 : index
      %swap3A_46 = arith.constant 0 : index
      %swap3A_47 = vector.load %arg6[%swap3A_45, %swap3A_46] : memref<8x128xf32, #tpu.memory_space<vmem>>, vector<8x128xf32>
      tpu.vector_store %arg6[%swap3A_45, %swap3A_46], %broadcast_in_dim3A_44 {strides = array<i32>} : memref<8x128xf32, #tpu.memory_space<vmem>>, vector<8x128xf32>,
    } else {
    }
    return
  }
  func.func @transform_0(%arg0: i32) -> (i32, i32) {
    %c0_i32 = arith.constant 0 : i32
    %c0_i32_0 = arith.constant 0 : i32
    return %arg0, %c0_i32 : i32, i32
  }
  func.func @transform_1(%arg0: i32) -> (i32, i32) {
    %c0_i32 = arith.constant 0 : i32
    %c0_i32_0 = arith.constant 0 : i32
    return %arg0, %c0_i32 : i32, i32
  }
  func.func @transform_2(%arg0: i32) -> (i32, i32) {
    %c0_i32 = arith.constant 0 : i32
    %c0_i32_0 = arith.constant 0 : i32
    %c0_i32_1 = arith.constant 0 : i32
    return %c0_i32, %c0_i32_0 : i32, i32
  }
  func.func @transform_3(%arg0: i32) -> (i32, i32) {
    %c0_i32 = arith.constant 0 : i32
    %c0_i32_0 = arith.constant 0 : i32
    return %arg0, %c0_i32 : i32, i32
  }
  func.func @transform_4(%arg0: i32) -> (i32, i32) {
    %c0_i32 = arith.constant 0 : i32
    %c0_i32_0 = arith.constant 0 : i32
    %c0_i32_1 = arith.constant 0 : i32
    return %c0_i32, %c0_i32_0 : i32, i32
  }
  func.func @transform_5(%arg0: i32) -> (i32, i32) {
    %c0_i32 = arith.constant 0 : i32
    %c0_i32_0 = arith.constant 0 : i32
    %c0_i32_1 = arith.constant 0 : i32
    return %c0_i32, %c0_i32_0 : i32, i32
  }
}

</mosaic_0001>

<sc_bundles>
// kernel: kernel.5.cloned.1.call-start
scs
__scs_entry_jumppad:
0x0: {  	(pc) =	sbr.rel $0x88, $3  }
0x1: {  	(tag) =	ssettag $0x0;
	lr =	simm.s32 $0x1  }
0x2: {  	[smem:$0x3F9F] =	sst lr;
	_ =	strace $0xD0000000  }
0x3: {  	_ = 	snop  }
0x4: {  	_ = 	snop  }
0x5: {  	_ = 	snop  }
0x6: {  	_ = 	snop  }
0x7: {  	_ = 	snop  }
__scs_overlays_trampoline_lowered:
0x8: {  	[smem:$0x3FAE] =	sst s0  }
0x9: {  	[smem:$0x3FAF] =	sst s1  }
0xa: {  	[smem:$0x3FB0] =	sst s2  }
0xb: {  	[smem:$0x3FB1] =	sst s3  }
0xc: {  	[smem:$0x3FB2] =	sst s4  }
0xd: {  	[smem:$0x3FB3] =	sst s5  }
0xe: {  	[smem:$0x3FB4] =	sst s6  }
0xf: {  	[smem:$0x3FB5] =	sst s7  }
0x10: {  	[smem:$0x3FB6] =	sst s8  }
0x11: {  	[smem:$0x3FB7] =	sst s9;
	s0 =	simm.s32 @!p0 $0x0  }
0x12: {  	s1 =	sld [smem:$0x3F9D];
	s0 =	simm.s32 @p0 $0x1  }
0x13: {  	[smem:$0x3FB8] =	sst s0;
	s0 =	simm.s32 @!p1 $0x0  }
0x14: {  	s2 =	sld [smem:$0x3F9C];
	s0 =	simm.s32 @p1 $0x1  }
0x15: {  	[smem:$0x3FB9] =	sst s0;
	s0 =	simm.s32 @!p2 $0x0  }
0x16: {  	s3 =	sld [smem:$0x3FDB];
	s0 =	simm.s32 @p2 $0x1  }
0x17: {  	s4 =	simm.s32 $0x1BF5;
	[smem:$0x3FBB] =	sst s0  }
0x18: {  	s0 =	sld [smem:$0x3F9E];
	_ =	swait.ge [sflag:s4], $0x0  }
0x19: {  	s7 =	sld [smem:$0x3F9F]  }
0x1a: {  	s8 =	sadd.s32 $0xFFFFE003, lr  }
0x1b: {  	s9 =	sadd.s32 $0xFFFFFEF7, lr;
	s5 =	simm.s32 $0xFFFFFFFF;
	p2 =	slt.u32 s8, $0xFFFFF086  }
0x1c: {  	p1 =	slt.u32 s9, $0xF7A;
	s5 =	simm.s32 @!p2 $0x0  }
0x1d: {  	s5 =	simm.s32 @p1 $0x1;
	p0 =	seq.s32 s7, s2  }
0x1e: {  	s7 =	smul.u32 @!p0 $0xF7A, s2;
	p2 =	seq.s32 @!p0 s5, $0x0  }
0x1f: {  	s9 =	smul.u32 $0xF7A, s1;
	s8 =	simm.s32 @!p0 $0x1BF5;
	p2 =	por !p2, p0  }
0x20: {  	[sflag:s8] =	ssyncset.s32 @!p0 $0xFFFFF086;
	s6 =	sadd.s32 @!p0 s3, s7;
	s7 =	simm.s32 @!p0 $0x108  }
0x21: {  	s3 =	sadd.s32 s3, s9;
	s6 =	sadd.s32 @!p0 $0x88, s6;
	s7 =	simm.s32 @p2 $0x1082  }
0x22: {  	[simem:s7], [sflag:s8] =	dma.local @!p0 [hbm:s6], $0xF7A  }
0x23: {  	s9 =	sor.u32 $0xD0000000, s2;
	s6 =	simm.s32 $0x108;
	_ =	swait.ge @!p0 [sflag:s8], $0x0  }
0x24: {  	s3 =	sadd.s32 $0x88, s3;
	s6 =	simm.s32 @!p1 $0x1082;
	[sflag:s4] =	ssyncset.s32 $0xFFFFF086  }
0x25: {  	[simem:s6], [sflag:s4] =	dma.local [hbm:s3], $0xF7A  }
0x26: {  	[smem:$0x3F9F] =	sst s1;
	(tag) =	ssettag s2;
	_ =	strace s9  }
0x27: {  	s1 =	sld [smem:$0x3FAF]  }
0x28: {  	s2 =	sld [smem:$0x3FB0]  }
0x29: {  	s4 =	sld [smem:$0x3FB2]  }
0x2a: {  	p0 =	seq.s32 s5, $0x0;
	s5 =	sld [smem:$0x3FB3]  }
0x2b: {  	s6 =	sld [smem:$0x3FB4]  }
0x2c: {  	s7 =	sld [smem:$0x3FB5]  }
0x2d: {  	s3 =	simm.s32 $0x108;
	s8 =	sld [smem:$0x3FB6]  }
0x2e: {  	s3 =	simm.s32 @!p0 $0x1082;
	s9 =	sld [smem:$0x3FB7]  }
0x2f: {  	lr =	sadd.s32 s0, s3;
	s0 =	sld [smem:$0x3FAE]  }
0x30: {  	s3 =	sld [smem:$0x3FB1]  }
0x31: {  	[smem:$0x3FBA] =	sst s10  }
0x32: {  	s10 =	sld [smem:$0x3FB8];
	_ =	sdelay $0x3  }
0x33: {  	p0 =	seq.s32 s10, $0x1;
	s10 =	sld [smem:$0x3FBA];
	_ =	sdelay $0x3  }
0x34: {  	[smem:$0x3FBA] =	sst s10  }
0x35: {  	s10 =	sld [smem:$0x3FB9];
	_ =	sdelay $0x3  }
0x36: {  	p1 =	seq.s32 s10, $0x1;
	s10 =	sld [smem:$0x3FBA];
	_ =	sdelay $0x3  }
0x37: {  	[smem:$0x3FBA] =	sst s10  }
0x38: {  	s10 =	sld [smem:$0x3FBB]  }
0x39: {  	_ = 	snop;
	(pc) =	sbr.ind lr, $3  }
0x3a: {  	_ = 	snop  }
0x3b: {  	_ = 	snop  }
0x3c: {  	p2 =	seq.s32 s10, $0x1;
	s10 =	sld [smem:$0x3FBA]  }
0x3d: {  	_ =	shalt  }
0x3e: {  	_ =	shalt  }
0x3f: {  	_ =	shalt  }
0x40: {  	_ =	shalt  }
0x41: {  	_ =	shalt  }
0x42: {  	_ =	shalt  }
0x43: {  	_ =	shalt  }
0x44: {  	_ =	shalt  }
0x45: {  	_ =	shalt  }
0x46: {  	_ =	shalt  }
0x47: {  	_ =	shalt  }
0x48: {  	_ =	shalt  }
0x49: {  	_ =	shalt  }
0x4a: {  	_ =	shalt  }
0x4b: {  	_ =	shalt  }
0x4c: {  	_ =	shalt  }
0x4d: {  	_ =	shalt  }
0x4e: {  	_ =	shalt  }
0x4f: {  	_ =	shalt  }
0x50: {  	_ =	shalt  }
0x51: {  	_ =	shalt  }
0x52: {  	_ =	shalt  }
0x53: {  	_ =	shalt  }
0x54: {  	_ =	shalt  }
0x55: {  	_ =	shalt  }
0x56: {  	_ =	shalt  }
0x57: {  	_ =	shalt  }
0x58: {  	_ =	shalt  }
0x59: {  	_ =	shalt  }
0x5a: {  	_ =	shalt  }
0x5b: {  	_ =	shalt  }
0x5c: {  	_ =	shalt  }
0x5d: {  	_ =	shalt  }
0x5e: {  	_ =	shalt  }
0x5f: {  	_ =	shalt  }
0x60: {  	_ =	shalt  }
0x61: {  	_ =	shalt  }
0x62: {  	_ =	shalt  }
0x63: {  	_ =	shalt  }
0x64: {  	_ =	shalt  }
0x65: {  	_ =	shalt  }
0x66: {  	_ =	shalt  }
0x67: {  	_ =	shalt  }
0x68: {  	_ =	shalt  }
0x69: {  	_ =	shalt  }
0x6a: {  	_ =	shalt  }
0x6b: {  	_ =	shalt  }
0x6c: {  	_ =	shalt  }
0x6d: {  	_ =	shalt  }
0x6e: {  	_ =	shalt  }
0x6f: {  	_ =	shalt  }
0x70: {  	_ =	shalt  }
0x71: {  	_ =	shalt  }
0x72: {  	_ =	shalt  }
0x73: {  	_ =	shalt  }
0x74: {  	_ =	shalt  }
0x75: {  	_ =	shalt  }
0x76: {  	_ =	shalt  }
0x77: {  	_ =	shalt  }
0x78: {  	_ =	shalt  }
0x79: {  	_ =	shalt  }
0x7a: {  	_ =	shalt  }
0x7b: {  	_ =	shalt  }
0x7c: {  	_ =	shalt  }
0x7d: {  	_ =	shalt  }
0x7e: {  	_ =	shalt  }
0x7f: {  	_ =	shalt  }
0x80: {  	_ =	shalt  }
0x81: {  	_ =	shalt  }
0x82: {  	_ =	shalt  }
0x83: {  	_ =	shalt  }
0x84: {  	_ =	shalt  }
0x85: {  	_ =	shalt  }
0x86: {  	_ =	shalt  }
0x87: {  	_ =	shalt  }
.Lfunc_end0:
.L_simem_size_0:
called_computation_lowered:
.L_overlay_start_0:
0x88: {  	s2 =	sld [smem:$0x3FD9]  }
0x89: {  	s3 =	sld [smem:$0x3FFE];
	_ =	sdelay $0x1  }
0x8a: {  	s1 =	srdreg.scid  }
0x8b: {  	s0 =	sand.u32 $0x1, s1  }
0x8c: {  	s14 =	sshll.u32 s0, $0xA;
	s2 =	sadd.s32 s3, s2  }
0x8d: {  	s2 =	sadd.s32 s2, s14  }
0x8e: {  	[smem:$0x3FC6] =	sst s2  }
0x8f: {  	_ = 	snop  }
0x90: {  	s2 =	sld [smem:$0x3FD0];
	_ =	sdelay $0x2  }
0x91: {  	s15 =	simm.s32 $0xA;
	s4 =	simm.s32 $0x10  }
0x92: {  	[smem:s4], [sflag:s15] =	dma.local [hbm:s2], $0x1  }
0x93: {  	_ =	swait.eq [sflag:s15], $0x1  }
0x94: {  	[sflag:s15] =	ssyncset.done $0x0  }
0x95: {  	[sflag:s15] =	ssyncadd.s32 $0xFFFFFFFF  }
0x96: {  	s16 =	sld [smem:$0x10];
	(tm) =	ssettm $0x1  }
0x97: {  	s17 =	sld [smem:$0x3FFB];
	_ =	sdelay $0x3  }
0x98: {  	_ =	strace s17  }
0x99: {  	s3 =	sld [smem:$0x3FFC];
	_ =	sdelay $0x3  }
0x9a: {  	_ =	strace s3  }
0x9b: {  	s3 =	sld [smem:$0x3FFD];
	_ =	sdelay $0x3  }
0x9c: {  	_ =	strace s3  }
0x9d: {  	_ =	strace $0x8FFFFFFF  }
0x9e: {  	s18 =	sld [smem:$0x3FDB];
	_ =	sdelay $0x1  }
0x9f: {  	s19 =	simm.s32 $_scs_section_size  }
0xa0: {  	s5 =	simm.s32 $_size__tile_overlayer_lowered;
	s6 =	simm.s32 $_tile_overlayer_lowered  }
0xa1: {  	s22 =	simm.s32 $0x1BFF;
	s21 =	sshll.u32 s6, $0x1;
	s3 =	sadd.s32 s19, s18  }
0xa2: {  	s7 =	simm.s32 $0x0;
	s20 =	sshll.u32 s5, $0x1;
	s5 =	sadd.s32 s21, s3  }
0xa3: {  	[timem:s7], [sflag:s22] =	dma.local [hbm:s5], s20  }
0xa4: {  	_ =	swait.ge [sflag:s22], s20  }
0xa5: {  	s4 =	ssub.s32 $0x0, s20;
	[sflag:s22] =	ssyncset.done $0x0  }
0xa6: {  	[sflag:s22] =	ssyncadd.s32 s4;
	_ =	sdelay $0x1  }
0xa7: {  	s23 =	simm.s32 $0x1B8B  }
0xa8: {  	_ =	swait.ge [sflag:s23], $0x1  }
0xa9: {  	[sflag:s23] =	ssyncset.done $0x0  }
0xaa: {  	s25 =	simm.s32 $0x1B8E;
	s24 =	sld [smem:$0x3FFE];
	[sflag:s23] =	ssyncadd.s32 $0xFFFFFFFF  }
0xab: {  	s26 =	simm.s32 $execute0_lowered;
	[smem:$0x3FD2] =	sst s25  }
0xac: {  	s5 =	sshll.u32 s26, $0x1;
	_ =	strace $0x80000046;
	[dreg:$0x1] =	wrdreg $0xFFFFFFFF  }
0xad: {  	s28 =	simm.s32 $_size_execute0_lowered;
	s3 =	sadd.s32 s3, s5;
	[dreg:$0x0] =	wrdreg $0x0  }
0xae: {  	s5 =	sshll.u32 s28, $0x1;
	[dreg:$0x2] =	wrdreg s3  }
0xaf: {  	[dreg:$0x3] =	wrdreg s5  }
0xb0: {  	[dreg:$0x4] =	wrdreg $0xC0  }
0xb1: {  	_ =	task [dreg:s7], $0x5FFFF  }
0xb2: {  	[dreg:$0x1] =	wrdreg $0xFFFFFFFF  }
0xb3: {  	[dreg:$0x0] =	wrdreg $0x60  }
0xb4: {  	[dreg:$0x2] =	wrdreg s24  }
0xb5: {  	[dreg:$0x3] =	wrdreg s16  }
0xb6: {  	[dreg:$0x4] =	wrdreg $0x8C000  }
0xb7: {  	[dreg:$0x5] =	wrdreg $0x9  }
0xb8: {  	_ =	task.clear_ibuf [dreg:s7], $0x6FFFF;
	_ =	strace $0x90000046  }
0xb9: {  	s29 =	simm.s32 $0x9;
	_ =	strace $0x80000048  }
0xba: {  	_ =	swait.ge [sflag:s29], $0x1  }
0xbb: {  	[sflag:s29] =	ssyncadd.s32 $0xFFFFFFFF  }
0xbc: {  	_ =	strace $0x90000048  }
0xbd: {  	_ =	sfence  }
0xbe: {  	s30 =	sld [smem:$0x0];
	_ =	sdelay $0x2  }
0xbf: {  	s31 =	sshll.u32 s1, $0xD;
	s1 =	sshrl.u32 s1, $0x2  }
0xc0: {  	s3 =	sand.u32 $0x4000, s31;
	s1 =	sadd.s32 s1, s30  }
0xc1: {  	s0 =	sor.u32 s3, s0;
	s1 =	sshll.u32 s1, $0x11  }
0xc2: {  	s0 =	sor.u32 s1, s0  }
0xc3: {  	s0 =	sadd.s32 $0x8F2B, s0  }
0xc4: {  	[sflag:s0] =	ssyncadd.remote.s32 $0x1  }
0xc5: {  	_ =	sfence.sel $0xFFFF  }
0xc6: {  	[dreg:$0x0] =	wrdreg $0xFFFFFFFF;
	(pc) =	sbr.abs _section_cstart, $3  }
0xc7: {  	[dreg:$0x1] =	wrdreg $0xFFFFFFFF  }
0xc8: {  	_ =	task.clear_ibuf [dreg:s7], $0x2FFFF;
	_ =	strace $0x9FFFFFFF  }
0xc9: {  	(tm) =	ssettm $0x7FFFFFFF  }
tec
execute0_lowered:
.L_overlay_start_1:
0x0: {  	(tag) =	ssettag $0x1  }
0x1: {  	s0 =	srdreg.scid  }
0x2: {  	s29 =	rddreg [dreg:$0x0];
	s28 =	stileid.u32;
	s31 =	sand.u32 $0x1, s0  }
0x3: {  	s26 =	rddreg [dreg:$0x1];
	s6 =	sshll.u32 s28, $0xA;
	s30 =	sshll.u32 s31, $0xE  }
0x4: {  	s1 =	rddreg [dreg:$0x2];
	s2 =	simm.s32 $0x0;
	s0 =	sor.u32 s6, s30  }
0x5: {  	[smem:$0x7FF] =	sst s2;
	s3 =	sshrl.u32 s0, $0x3  }
0x6: {  	s4 =	sadd.s32 $0xA00, s29;
	_ =	strace $0x80000047;
	s3 =	sadd.s32 s3, s29  }
0x7: {  	[dreg:$0x4] =	wrdreg s4;
	s4 =	simm.s32 $0x2;
	s3 =	sadd.s32 $0x88C00, s3  }
0x8: {  	[tilespmem:s2], [sflag:$0x2] =	stream.linear.gather [hbm4b:s3+s2], $0x400, $0x38;
	[tilespmem:$0xAC00] =	vst v63  }
0x9: {  	_ =	swait.ge [sflag:s4], $0x400  }
0xa: {  	s5 =	simm.s32 $0x8400;
	[sflag:s4] =	ssyncset.done $0x0  }
0xb: {  	s8 =	sshll.u32 s28, $0xD;
	s7 =	rddreg [dreg:$0x4];
	[sflag:s4] =	ssyncadd.s32 $0xFFFFFC00  }
0xc: {  	[tilespmem:s5], [sflag:$0x2] =	stream.linear.gather [hbm4b:s7+s2], $0x800, $0x38;
	[tilespmem:$0xAC00] =	vst v63  }
0xd: {  	s25 =	sshll.u32 s28, $0x6;
	s8 =	sadd.s32 s8, s1;
	_ =	swait.ge [sflag:s4], $0x800  }
0xe: {  	s6 =	sadd.s32 s6, s29;
	s8 =	sshrl.u32 s8, $0x3;
	[sflag:s4] =	ssyncset.done $0x0  }
0xf: {  	s6 =	sadd.s32 $0x89C00, s6;
	s7 =	sor.u32 $0x1C02, s25;
	[sflag:s4] =	ssyncadd.s32 $0xFFFFF800  }
0x10: {  	[spmem:s8], [sflag:s7] =	dma.local [hbm:s6], $0x400  }
0x11: {  	_ =	swait.ge [sflag:s4], $0x400  }
0x12: {  	[sflag:s4] =	ssyncset.done $0x0  }
0x13: {  	s10 =	simm.s32 $0x80;
	[sflag:s4] =	ssyncadd.s32 $0xFFFFFC00  }
0x14: {  	s11 =	simm.s32 $0x400;
	s9 =	sadd.s32 $0xC00, s29;
	[bflag:$0x0] =	sbarrier.arrive $0xFFFF  }
0x15: {  	[tilespmem:s11], [sflag:$0x1] =	stream.indirect.gather [hbm4b:s9+s10], $0x20, s2, s10, $0xb8;
	[tilespmem:$0xAC00] =	vst v63  }
0x16: {  	s12 =	simm.s32 $0x1400  }
0x17: {  	[tilespmem:s12], [sflag:$0x1] =	stream.indirect.gather [hbm4b:s9+s10], $0x20, s10, s10, $0xb8;
	[tilespmem:$0xAC00] =	vst v63  }
0x18: {  	s13 =	simm.s32 $0x100;
	s14 =	simm.s32 $0x2400  }
0x19: {  	[tilespmem:s14], [sflag:$0x1] =	stream.indirect.gather [hbm4b:s9+s10], $0x20, s13, s10, $0xb8;
	[tilespmem:$0xAC00] =	vst v63  }
0x1a: {  	s15 =	simm.s32 $0x180;
	s16 =	simm.s32 $0x3400  }
0x1b: {  	[tilespmem:s16], [sflag:$0x1] =	stream.indirect.gather [hbm4b:s9+s10], $0x20, s15, s10, $0xb8;
	[tilespmem:$0xAC00] =	vst v63  }
0x1c: {  	s17 =	simm.s32 $0x200;
	s18 =	simm.s32 $0x4400  }
0x1d: {  	[tilespmem:s18], [sflag:$0x1] =	stream.indirect.gather [hbm4b:s9+s10], $0x20, s17, s10, $0xb8;
	[tilespmem:$0xAC00] =	vst v63  }
0x1e: {  	s19 =	simm.s32 $0x280;
	s20 =	simm.s32 $0x5400  }
0x1f: {  	[tilespmem:s20], [sflag:$0x1] =	stream.indirect.gather [hbm4b:s9+s10], $0x20, s19, s10, $0xb8;
	[tilespmem:$0xAC00] =	vst v63  }
0x20: {  	s21 =	simm.s32 $0x300;
	s22 =	simm.s32 $0x6400  }
0x21: {  	[tilespmem:s22], [sflag:$0x1] =	stream.indirect.gather [hbm4b:s9+s10], $0x20, s21, s10, $0xb8;
	[tilespmem:$0xAC00] =	vst v63  }
0x22: {  	s23 =	simm.s32 $0x380;
	s24 =	simm.s32 $0x7400;
	s25 =	simm.s32 $0x1  }
0x23: {  	[tilespmem:s24], [sflag:$0x1] =	stream.indirect.gather [hbm4b:s9+s10], $0x20, s23, s10, $0xb8;
	[tilespmem:$0xAC00] =	vst v63  }
0x24: {  	_ =	swait.ge [sflag:s25], $0x1000  }
0x25: {  	[sflag:s25] =	ssyncset.done $0x0  }
0x26: {  	[sflag:s25] =	ssyncadd.s32 $0xFFFFF000  }
0x27: {  	_ =	swait.ge [sflag:s25], $0x1000  }
0x28: {  	[sflag:s25] =	ssyncset.done $0x0  }
0x29: {  	[sflag:s25] =	ssyncadd.s32 $0xFFFFF000  }
0x2a: {  	_ =	swait.ge [sflag:s25], $0x1000  }
0x2b: {  	[sflag:s25] =	ssyncset.done $0x0  }
0x2c: {  	[sflag:s25] =	ssyncadd.s32 $0xFFFFF000  }
0x2d: {  	_ =	swait.ge [sflag:s25], $0x1000  }
0x2e: {  	[sflag:s25] =	ssyncset.done $0x0  }
0x2f: {  	[sflag:s25] =	ssyncadd.s32 $0xFFFFF000  }
0x30: {  	_ =	swait.ge [sflag:s25], $0x1000  }
0x31: {  	[sflag:s25] =	ssyncset.done $0x0  }
0x32: {  	[sflag:s25] =	ssyncadd.s32 $0xFFFFF000  }
0x33: {  	_ =	swait.ge [sflag:s25], $0x1000  }
0x34: {  	[sflag:s25] =	ssyncset.done $0x0  }
0x35: {  	[sflag:s25] =	ssyncadd.s32 $0xFFFFF000  }
0x36: {  	_ =	swait.ge [sflag:s25], $0x1000  }
0x37: {  	[sflag:s25] =	ssyncset.done $0x0  }
0x38: {  	[sflag:s25] =	ssyncadd.s32 $0xFFFFF000  }
0x39: {  	_ =	swait.ge [sflag:s25], $0x1000  }
0x3a: {  	s0 =	sshll.u32 s0, $0x2;
	[sflag:s25] =	ssyncset.done $0x0  }
0x3b: {  	s26 =	sadd.s32 s26, s0;
	[sflag:s25] =	ssyncadd.s32 $0xFFFFF000  }
0x3c: {  	[hbm4b:s26+s2] =	stream.linear.scatter [tilespmem:s11], [sflag:$0x2], $0x8000, $0x38;
	[tilespmem:$0xAC00] =	vst v63  }
0x3d: {  	_ =	swait.ge [sflag:s4], $0x8000  }
0x3e: {  	[sflag:s4] =	ssyncset.done $0x0  }
0x3f: {  	[sflag:s4] =	ssyncadd.s32 $0xFFFF8000  }
0x40: {  	[spmem:s1] =	stream.indirect.scatter.add.f32 [tilespmem:s5], [sflag:$0x2], $0x10, s2, s10, $0xb8;
	[tilespmem:$0xAC00] =	vst v63  }
0x41: {  	_ =	swait.ge [sflag:s4], $0x800  }
0x42: {  	[sflag:s4] =	ssyncset.done $0x0  }
0x43: {  	[sflag:s4] =	ssyncadd.s32 $0xFFFFF800  }
0x44: {  	[spmem:s1] =	stream.indirect.scatter.add.f32 [tilespmem:s5], [sflag:$0x2], $0x10, s10, s10, $0xb8;
	[tilespmem:$0xAC00] =	vst v63  }
0x45: {  	_ =	swait.ge [sflag:s4], $0x800  }
0x46: {  	[sflag:s4] =	ssyncset.done $0x0  }
0x47: {  	[sflag:s4] =	ssyncadd.s32 $0xFFFFF800  }
0x48: {  	[spmem:s1] =	stream.indirect.scatter.add.f32 [tilespmem:s5], [sflag:$0x2], $0x10, s13, s10, $0xb8;
	[tilespmem:$0xAC00] =	vst v63  }
0x49: {  	_ =	swait.ge [sflag:s4], $0x800  }
0x4a: {  	[sflag:s4] =	ssyncset.done $0x0  }
0x4b: {  	[sflag:s4] =	ssyncadd.s32 $0xFFFFF800  }
0x4c: {  	[spmem:s1] =	stream.indirect.scatter.add.f32 [tilespmem:s5], [sflag:$0x2], $0x10, s15, s10, $0xb8;
	[tilespmem:$0xAC00] =	vst v63  }
0x4d: {  	_ =	swait.ge [sflag:s4], $0x800  }
0x4e: {  	[sflag:s4] =	ssyncset.done $0x0  }
0x4f: {  	[sflag:s4] =	ssyncadd.s32 $0xFFFFF800  }
0x50: {  	[spmem:s1] =	stream.indirect.scatter.add.f32 [tilespmem:s5], [sflag:$0x2], $0x10, s17, s10, $0xb8;
	[tilespmem:$0xAC00] =	vst v63  }
0x51: {  	_ =	swait.ge [sflag:s4], $0x800  }
0x52: {  	[sflag:s4] =	ssyncset.done $0x0  }
0x53: {  	[sflag:s4] =	ssyncadd.s32 $0xFFFFF800  }
0x54: {  	[spmem:s1] =	stream.indirect.scatter.add.f32 [tilespmem:s5], [sflag:$0x2], $0x10, s19, s10, $0xb8;
	[tilespmem:$0xAC00] =	vst v63  }
0x55: {  	_ =	swait.ge [sflag:s4], $0x800  }
0x56: {  	[sflag:s4] =	ssyncset.done $0x0  }
0x57: {  	s0 =	ssub.s32 $0x2, s31;
	[sflag:s4] =	ssyncadd.s32 $0xFFFFF800  }
0x58: {  	[spmem:s1] =	stream.indirect.scatter.add.f32 [tilespmem:s5], [sflag:$0x2], $0x10, s21, s10, $0xb8;
	[tilespmem:$0xAC00] =	vst v63  }
0x59: {  	s31 =	sshrl.u32 s0, $0x1;
	_ =	swait.ge [sflag:s4], $0x800  }
0x5a: {  	s0 =	ssub.s32 s0, s31;
	[sflag:s4] =	ssyncset.done $0x0  }
0x5b: {  	s0 =	smax.u32 s0, $0x1;
	[sflag:s4] =	ssyncadd.s32 $0xFFFFF800  }
0x5c: {  	[spmem:s1] =	stream.indirect.scatter.add.f32 [tilespmem:s5], [sflag:$0x2], $0x10, s23, s10, $0xb8;
	[tilespmem:$0xAC00] =	vst v63  }
0x5d: {  	p0 =	sne.s32 s28, $0x0;
	s31 =	sadd.s32 $0xFFFFFFFF, s0;
	_ =	swait.ge [sflag:s4], $0x800  }
0x5e: {  	s29 =	sadd.s32 s30, s29;
	p1 =	sne.s32 s31, $0x0;
	[sflag:s4] =	ssyncset.done $0x0  }
.Ltmp0:
0x5f: {  	s30 =	sshrl.u32 @!p0 s1, $0x3;
	[sflag:s4] =	ssyncadd.s32 $0xFFFFF800;
	(pc) =	sbr.rel @!p1 .LBB2_2-.Ltmp0, $4  }
0x60: {  	s28 =	sadd.s32 $0x8DC00, s29;
	s29 =	simm.s32 @!p0 $0x2;
	[bflag:$0x0] =	sbarrier.arrive $0xFFFF  }
0x61: {  	[hbm:s28], [sflag:s7] =	dma.local @!p0 [spmem:s30], $0x4000  }
0x62: {  	_ =	swait.ge @!p0 [sflag:s29], $0x4000  }
0x63: {  	[sflag:s29] =	ssyncset.done @!p0 $0x0  }
.LBB2_1:
0x64: {  	[sflag:s29] =	ssyncadd.s32 @!p0 $0xFFFFC000  }
0x65: {  	[tilespmem:s2], [sflag:$0x2] =	stream.linear.gather [hbm4b:s3+s2], $0x400, $0x38;
	[tilespmem:$0xAC00] =	vst v63  }
0x66: {  	_ =	swait.ge [sflag:s4], $0x400  }
0x67: {  	[sflag:s4] =	ssyncset.done $0x0  }
0x68: {  	s0 =	rddreg [dreg:$0x4];
	[sflag:s4] =	ssyncadd.s32 $0xFFFFFC00  }
0x69: {  	[tilespmem:s5], [sflag:$0x2] =	stream.linear.gather [hbm4b:s0+s2], $0x800, $0x38;
	[tilespmem:$0xAC00] =	vst v63  }
0x6a: {  	_ =	swait.ge [sflag:s4], $0x800  }
0x6b: {  	[sflag:s4] =	ssyncset.done $0x0  }
0x6c: {  	[sflag:s4] =	ssyncadd.s32 $0xFFFFF800  }
0x6d: {  	[spmem:s8], [sflag:s7] =	dma.local [hbm:s6], $0x400  }
0x6e: {  	_ =	swait.ge [sflag:s4], $0x400  }
0x6f: {  	[sflag:s4] =	ssyncset.done $0x0  }
0x70: {  	[sflag:s4] =	ssyncadd.s32 $0xFFFFFC00  }
0x71: {  	[bflag:$0x0] =	sbarrier.arrive $0xFFFF  }
0x72: {  	[tilespmem:s11], [sflag:$0x1] =	stream.indirect.gather [hbm4b:s9+s10], $0x20, s2, s10, $0xb8;
	[tilespmem:$0xAC00] =	vst v63  }
0x73: {  	_ = 	snop  }
0x74: {  	[tilespmem:s12], [sflag:$0x1] =	stream.indirect.gather [hbm4b:s9+s10], $0x20, s10, s10, $0xb8;
	[tilespmem:$0xAC00] =	vst v63  }
0x75: {  	_ = 	snop  }
0x76: {  	[tilespmem:s14], [sflag:$0x1] =	stream.indirect.gather [hbm4b:s9+s10], $0x20, s13, s10, $0xb8;
	[tilespmem:$0xAC00] =	vst v63  }
0x77: {  	_ = 	snop  }
0x78: {  	[tilespmem:s16], [sflag:$0x1] =	stream.indirect.gather [hbm4b:s9+s10], $0x20, s15, s10, $0xb8;
	[tilespmem:$0xAC00] =	vst v63  }
0x79: {  	_ = 	snop  }
0x7a: {  	[tilespmem:s18], [sflag:$0x1] =	stream.indirect.gather [hbm4b:s9+s10], $0x20, s17, s10, $0xb8;
	[tilespmem:$0xAC00] =	vst v63  }
0x7b: {  	_ = 	snop  }
0x7c: {  	[tilespmem:s20], [sflag:$0x1] =	stream.indirect.gather [hbm4b:s9+s10], $0x20, s19, s10, $0xb8;
	[tilespmem:$0xAC00] =	vst v63  }
0x7d: {  	_ = 	snop  }
0x7e: {  	[tilespmem:s22], [sflag:$0x1] =	stream.indirect.gather [hbm4b:s9+s10], $0x20, s21, s10, $0xb8;
	[tilespmem:$0xAC00] =	vst v63  }
0x7f: {  	_ = 	snop  }
0x80: {  	[tilespmem:s24], [sflag:$0x1] =	stream.indirect.gather [hbm4b:s9+s10], $0x20, s23, s10, $0xb8;
	[tilespmem:$0xAC00] =	vst v63  }
0x81: {  	_ =	swait.ge [sflag:s25], $0x1000  }
0x82: {  	[sflag:s25] =	ssyncset.done $0x0  }
0x83: {  	[sflag:s25] =	ssyncadd.s32 $0xFFFFF000  }
0x84: {  	_ =	swait.ge [sflag:s25], $0x1000  }
0x85: {  	[sflag:s25] =	ssyncset.done $0x0  }
0x86: {  	[sflag:s25] =	ssyncadd.s32 $0xFFFFF000  }
0x87: {  	_ =	swait.ge [sflag:s25], $0x1000  }
0x88: {  	[sflag:s25] =	ssyncset.done $0x0  }
0x89: {  	[sflag:s25] =	ssyncadd.s32 $0xFFFFF000  }
0x8a: {  	_ =	swait.ge [sflag:s25], $0x1000  }
0x8b: {  	[sflag:s25] =	ssyncset.done $0x0  }
0x8c: {  	[sflag:s25] =	ssyncadd.s32 $0xFFFFF000  }
0x8d: {  	_ =	swait.ge [sflag:s25], $0x1000  }
0x8e: {  	[sflag:s25] =	ssyncset.done $0x0  }
0x8f: {  	[sflag:s25] =	ssyncadd.s32 $0xFFFFF000  }
0x90: {  	_ =	swait.ge [sflag:s25], $0x1000  }
0x91: {  	[sflag:s25] =	ssyncset.done $0x0  }
0x92: {  	[sflag:s25] =	ssyncadd.s32 $0xFFFFF000  }
0x93: {  	_ =	swait.ge [sflag:s25], $0x1000  }
0x94: {  	[sflag:s25] =	ssyncset.done $0x0  }
0x95: {  	[sflag:s25] =	ssyncadd.s32 $0xFFFFF000  }
0x96: {  	_ =	swait.ge [sflag:s25], $0x1000  }
0x97: {  	[sflag:s25] =	ssyncset.done $0x0  }
0x98: {  	[sflag:s25] =	ssyncadd.s32 $0xFFFFF000  }
0x99: {  	[hbm4b:s26+s2] =	stream.linear.scatter [tilespmem:s11], [sflag:$0x2], $0x8000, $0x38;
	[tilespmem:$0xAC00] =	vst v63  }
0x9a: {  	_ =	swait.ge [sflag:s4], $0x8000  }
0x9b: {  	[sflag:s4] =	ssyncset.done $0x0  }
0x9c: {  	[sflag:s4] =	ssyncadd.s32 $0xFFFF8000  }
0x9d: {  	[spmem:s1] =	stream.indirect.scatter.add.f32 [tilespmem:s5], [sflag:$0x2], $0x10, s2, s10, $0xb8;
	[tilespmem:$0xAC00] =	vst v63  }
0x9e: {  	_ =	swait.ge [sflag:s4], $0x800  }
0x9f: {  	[sflag:s4] =	ssyncset.done $0x0  }
0xa0: {  	[sflag:s4] =	ssyncadd.s32 $0xFFFFF800  }
0xa1: {  	[spmem:s1] =	stream.indirect.scatter.add.f32 [tilespmem:s5], [sflag:$0x2], $0x10, s10, s10, $0xb8;
	[tilespmem:$0xAC00] =	vst v63  }
0xa2: {  	_ =	swait.ge [sflag:s4], $0x800  }
0xa3: {  	[sflag:s4] =	ssyncset.done $0x0  }
0xa4: {  	[sflag:s4] =	ssyncadd.s32 $0xFFFFF800  }
0xa5: {  	[spmem:s1] =	stream.indirect.scatter.add.f32 [tilespmem:s5], [sflag:$0x2], $0x10, s13, s10, $0xb8;
	[tilespmem:$0xAC00] =	vst v63  }
0xa6: {  	_ =	swait.ge [sflag:s4], $0x800  }
0xa7: {  	[sflag:s4] =	ssyncset.done $0x0  }
0xa8: {  	[sflag:s4] =	ssyncadd.s32 $0xFFFFF800  }
0xa9: {  	[spmem:s1] =	stream.indirect.scatter.add.f32 [tilespmem:s5], [sflag:$0x2], $0x10, s15, s10, $0xb8;
	[tilespmem:$0xAC00] =	vst v63  }
0xaa: {  	_ =	swait.ge [sflag:s4], $0x800  }
0xab: {  	[sflag:s4] =	ssyncset.done $0x0  }
0xac: {  	[sflag:s4] =	ssyncadd.s32 $0xFFFFF800  }
0xad: {  	[spmem:s1] =	stream.indirect.scatter.add.f32 [tilespmem:s5], [sflag:$0x2], $0x10, s17, s10, $0xb8;
	[tilespmem:$0xAC00] =	vst v63  }
0xae: {  	_ =	swait.ge [sflag:s4], $0x800  }
0xaf: {  	[sflag:s4] =	ssyncset.done $0x0  }
0xb0: {  	[sflag:s4] =	ssyncadd.s32 $0xFFFFF800  }
0xb1: {  	[spmem:s1] =	stream.indirect.scatter.add.f32 [tilespmem:s5], [sflag:$0x2], $0x10, s19, s10, $0xb8;
	[tilespmem:$0xAC00] =	vst v63  }
0xb2: {  	_ =	swait.ge [sflag:s4], $0x800  }
0xb3: {  	[sflag:s4] =	ssyncset.done $0x0  }
0xb4: {  	[sflag:s4] =	ssyncadd.s32 $0xFFFFF800  }
0xb5: {  	[spmem:s1] =	stream.indirect.scatter.add.f32 [tilespmem:s5], [sflag:$0x2], $0x10, s21, s10, $0xb8;
	[tilespmem:$0xAC00] =	vst v63  }
0xb6: {  	_ =	swait.ge [sflag:s4], $0x800  }
0xb7: {  	[sflag:s4] =	ssyncset.done $0x0  }
0xb8: {  	[sflag:s4] =	ssyncadd.s32 $0xFFFFF800  }
0xb9: {  	[spmem:s1] =	stream.indirect.scatter.add.f32 [tilespmem:s5], [sflag:$0x2], $0x10, s23, s10, $0xb8;
	[tilespmem:$0xAC00] =	vst v63  }
0xba: {  	s31 =	sadd.s32 $0xFFFFFFFF, s31;
	_ =	swait.ge [sflag:s4], $0x800  }
0xbb: {  	p1 =	sne.s32 s31, $0x0;
	[sflag:s4] =	ssyncset.done $0x0  }
.Ltmp1:
0xbc: {  	[sflag:s4] =	ssyncadd.s32 $0xFFFFF800;
	(pc) =	sbr.rel @p1 .LBB2_1-.Ltmp1, $4  }
0xbd: {  	[bflag:$0x0] =	sbarrier.arrive $0xFFFF  }
0xbe: {  	[hbm:s28], [sflag:s7] =	dma.local @!p0 [spmem:s30], $0x4000  }
0xbf: {  	_ =	swait.ge @!p0 [sflag:s29], $0x4000  }
0xc0: {  	[sflag:s29] =	ssyncset.done @!p0 $0x0  }
.LBB2_2:
0xc1: {  	[sflag:s29] =	ssyncadd.s32 @!p0 $0xFFFFC000  }
0xc2: {  	_ =	sfence.sel $0x180000  }
0xc3: {  	[bflag:$0x0] =	sbarrier.arrive $0xFFFF  }
0xc4: {  	_ =	strace $0x90000047  }
0xc5: {  	[bflag:$0x2] =	sbarrier.arrive $0xFFFF  }
0xc6: {  	s0 =	rddreg [dreg:$0x3]  }
0xc7: {  	s0 =	sadd.s32 @!p0 $0x100000, s0  }
0xc8: {  	[sflag:s0] =	ssyncadd.tile.s32 @!p0 $0x1;
	_ =	shalt  }
.Lfunc_end2:
_tile_overlayer_lowered:
.L_overlay_start_2:
0xc9: {  	(tag) =	ssettag $0x2  }
0xca: {  	s0 =	rddreg [dreg:$0x0];
	s2 =	stileid.u32  }
0xcb: {  	s1 =	rddreg [dreg:$0x1];
	p0 =	sne.s32 s2, $0x0  }
0xcc: {  	s3 =	rddreg [dreg:$0x2];
	[bflag:$0x3] =	sbarrier.arrive $0xFFFF;
	s2 =	simm.s32 @!p0 $0x1C02  }
0xcd: {  	[timem:s3], [sflag:s2] =	dma.local @!p0 [hbm:s0], s1  }
0xce: {  	s0 =	simm.s32 @!p0 $0x2  }
0xcf: {  	_ =	swait.ge @!p0 [sflag:s0], s1  }
0xd0: {  	s1 =	ssub.s32 @!p0 $0x0, s1;
	[sflag:s0] =	ssyncset.done @!p0 $0x0  }
0xd1: {  	[sflag:s0] =	ssyncadd.s32 @!p0 s1  }
0xd2: {  	[bflag:$0x3] =	sbarrier.arrive $0xFFFF  }
0xd3: {  	_ =	shalt  }

</sc_bundles>
